<compile_context>
chip_gen: v7x
topology: tpu7x:2x2x1
jax: 0.10.2.dev20260603
libtpu: 0.0.44.dev20260713+nightly
codegen_flags: <defaults>
</compile_context>

<pallas_src>
import functools

import jax
import jax.numpy as jnp
from jax import lax
from jax.experimental import pallas as pl
from jax.experimental.pallas import tpu as pltpu
from jax.experimental.pallas import tpu_sc as plsc

_B, _T, _D = 16, 1024, 32
_M = 8192
_N_TOK = _B * _T
_BLK = 4096
_N_BLK = _N_TOK // _BLK
_COMMIT = 0.25

_NC, _NS = 2, 16
_NW = _NC * _NS
_CHUNK = 128
_N_CHUNK = (_N_TOK // _NW) // _CHUNK


def _stats_body(x_ref, q_ref, pcnt_ref,
                loss_ref, perp_ref,
                esum_ref, npsum_ref):
    i = pl.program_id(0)

    @pl.when(i == 0)
    def _init():
        esum_ref[0, 0] = 0.0
        npsum_ref[0, 0] = 0.0

    x = x_ref[...]
    q = q_ref[...]
    el = jnp.sum((x - q) * (x - q), axis=1, keepdims=True) * (1.0 / _D)
    nonpad = (jnp.sum(jnp.abs(x), axis=1, keepdims=True) > 0.0
              ).astype(jnp.float32)
    esum_ref[0, 0] += jnp.sum(el * nonpad)
    npsum_ref[0, 0] += jnp.sum(nonpad)

    @pl.when(i == _N_BLK - 1)
    def _fin():
        lossv = _COMMIT * esum_ref[0, 0] / npsum_ref[0, 0]
        loss_ref[...] = jnp.full((1, 1), lossv, jnp.float32)
        counts = jnp.sum(pcnt_ref[...], axis=0, keepdims=True)
        p = counts * (1.0 / _N_TOK)
        ent = jnp.sum(p * jnp.log(p + 1e-10))
        perp_ref[...] = jnp.full((1, 1), jnp.exp(-ent), jnp.float32)


_stats_call = pl.pallas_call(
    _stats_body,
    grid=(_N_BLK,),
    in_specs=[
        pl.BlockSpec((_BLK, _D), lambda i: (i, 0)),
        pl.BlockSpec((_BLK, _D), lambda i: (i, 0)),
        pl.BlockSpec((_NW, _M), lambda i: (0, 0)),
    ],
    out_specs=[
        pl.BlockSpec((1, 1), lambda i: (0, 0)),
        pl.BlockSpec((1, 1), lambda i: (0, 0)),
    ],
    out_shape=[
        jax.ShapeDtypeStruct((1, 1), jnp.float32),
        jax.ShapeDtypeStruct((1, 1), jnp.float32),
    ],
    scratch_shapes=[
        pltpu.SMEM((1, 1), jnp.float32),
        pltpu.SMEM((1, 1), jnp.float32),
    ],
)


@functools.lru_cache(maxsize=1)
def _make_sc_gather():
    @functools.partial(
        pl.kernel,
        out_type=[
            jax.ShapeDtypeStruct((_N_TOK // _CHUNK, _CHUNK, _D), jnp.float32),
            jax.ShapeDtypeStruct((_NW, _M), jnp.float32),
        ],
        mesh=plsc.VectorSubcoreMesh(core_axis_name="c", subcore_axis_name="s"),
        scratch_types=[
            pltpu.VMEM((_N_CHUNK, _CHUNK), jnp.int32),
            pltpu.VMEM((_N_CHUNK, _CHUNK, _D), jnp.float32),
            pltpu.VMEM((_M,), jnp.float32),
            pltpu.SemaphoreType.DMA,
        ],
        compiler_params=pltpu.CompilerParams(use_tc_tiling_on_sc=False,
                                             needs_layout_passes=False),
    )
    def _sc_gather(table_hbm, idx_hbm, out_hbm, cnt_hbm,
                   idx_v, rows_v, cnt_v, sem):
        wid = lax.axis_index("s") * _NC + lax.axis_index("c")
        row0 = wid * _N_CHUNK
        pltpu.sync_copy(idx_hbm.at[pl.ds(row0, _N_CHUNK)], idx_v)
        copies = [
            pltpu.async_copy(table_hbm.at[idx_v.at[j]], rows_v.at[j], sem)
            for j in range(_N_CHUNK)
        ]

        def _zero(k, _):
            cnt_v[pl.ds(k * 16, 16)] = jnp.zeros((16,), jnp.float32)
            return _
        lax.fori_loop(0, _M // 16, _zero, 0, unroll=8)
        ones = jnp.ones((16,), jnp.float32)
        for j in range(_N_CHUNK):
            for k in range(_CHUNK // 16):
                v = idx_v[j, pl.ds(k * 16, 16)]
                plsc.addupdate_scatter(cnt_v, [v], ones)
        pltpu.sync_copy(cnt_v, cnt_hbm.at[wid])

        for c in copies:
            c.wait()
        pltpu.sync_copy(rows_v, out_hbm.at[pl.ds(row0, _N_CHUNK)])

    return _sc_gather


def kernel(x, embedding):
    x_flat = jax.lax.stop_gradient(x).reshape(-1, _D)
    distances = (jnp.sum(embedding ** 2, axis=1)[None, :]
                 + jnp.sum(x_flat ** 2, axis=1, keepdims=True)
                 - 2.0 * (x_flat @ embedding.T))
    indices = jnp.argmin(distances.astype(jnp.float32), axis=-1)

    idx_rows = indices.reshape(_N_TOK // _CHUNK, _CHUNK)
    quant, pcnt = _make_sc_gather()(embedding, idx_rows)
    quant_flat = quant.reshape(_N_TOK, _D)

    loss, perp = _stats_call(x_flat, quant_flat, pcnt)
    quantized_ste = quant_flat.reshape(_B, _T, _D)
    indices_bt = indices.reshape(_B, _T)
    return (quantized_ste, loss.reshape(()), indices_bt, perp.reshape(()))

# --- scband reference (transcript-rebuilt; emitter-appended) ---
"""Pipeline reference for scband-vqembedding-ema-30760555774510 (READ-ONLY COPY).

The authoritative reference and input builder live on the scoring server;
editing this copy changes nothing except your own understanding.
"""

import jax, jax.numpy as jnp
import numpy as np

B, T, D = 16, 1024, 32
M = 8192
COMMITMENT_COST = 0.25

def setup_inputs(seed: int = 0) -> dict:
    key = jax.random.key(seed)
    k1, k2 = jax.random.split(key)
    x = jax.random.normal(k1, (B, T, D), dtype=jnp.float32)
    init_bound = 1.0 / 512
    embedding = jax.random.uniform(k2, (M, D), minval=-init_bound, maxval=init_bound, dtype=jnp.float32)
    return {"x": x, "embedding": embedding}

def reference(x, embedding):
    # eval-mode forward of VQEmbeddingEMA (no kmeans init, no EMA buffer updates)
    Bx, Tx, Dx = x.shape
    Mx = embedding.shape[0]
    x_flat = jax.lax.stop_gradient(x).reshape(-1, Dx)
    # addmm(beta*(||e||^2 + ||x||^2), x_flat, e^T, alpha=-2) == squared L2 distances
    distances = (jnp.sum(embedding ** 2, axis=1)[None, :]
                 + jnp.sum(x_flat ** 2, axis=1, keepdims=True)
                 - 2.0 * (x_flat @ embedding.T))
    indices = jnp.argmin(distances.astype(jnp.float32), axis=-1)
    quantized = jnp.take(embedding, indices, axis=0).reshape(x.shape)
    encodings = jax.nn.one_hot(indices, Mx, dtype=jnp.float32)
    indices_bt = indices.reshape(Bx, Tx)
    # commitment loss with nonpadding mask
    e_latent = (x - jax.lax.stop_gradient(quantized)) ** 2
    nonpadding = (jnp.sum(jnp.abs(x), axis=-1) > 0).astype(jnp.float32)
    e_latent_loss = jnp.sum(jnp.mean(e_latent, axis=-1) * nonpadding) / jnp.sum(nonpadding)
    loss = COMMITMENT_COST * e_latent_loss
    # straight-through estimator
    quantized_ste = x + jax.lax.stop_gradient(quantized - x)
    avg_probs = jnp.mean(encodings, axis=0)
    perplexity = jnp.exp(-jnp.sum(avg_probs * jnp.log(avg_probs + 1e-10)))
    return (quantized_ste, loss, indices_bt, perplexity)

if __name__ == "__main__":
    import jax
    _d = setup_inputs()
    print(jax.jit(kernel)(*tuple(_d.values())))

</pallas_src>

<mosaic_0001>
#map = affine_map<(d0, d1) -> (0, 0)>
#map1 = affine_map<(d0, d1) -> (0, 0, 0)>
module attributes {stable_mosaic.version = 14 : i64} {
  func.func @_sc_gather(%arg0: i32, %arg1: i32, %arg2: memref<8192x32xf32, #tpu.memory_space<hbm>>, %arg3: memref<128x128xi32, #tpu.memory_space<hbm>>, %arg4: memref<128x128x32xf32, #tpu.memory_space<hbm>>, %arg5: memref<32x8192xf32, #tpu.memory_space<hbm>>, %arg6: memref<4x128xi32, #tpu.memory_space<vmem>>, %arg7: memref<4x128x32xf32, #tpu.memory_space<vmem>>, %arg8: memref<8192xf32, #tpu.memory_space<vmem>>, %arg9: memref<!tpu.dma_semaphore, #tpu.memory_space<semaphore_mem>>) attributes {dimension_semantics = [#tpu.dimension_semantics<core_parallel>, #tpu.dimension_semantics<subcore_parallel>], iteration_bounds = array<i64: 2, 16>, scalar_prefetch = 0 : i64, scratch_operands = 4 : i64, tpu.core_type = #tpu.core_type<sc_vector_subcore>, window_params = [{transform_indices = #map}, {transform_indices = #map}, {transform_indices = #map1}, {transform_indices = #map}]} {
    %mul3A = arith.constant 2 : i32
    %mul3A_0 = arith.muli %arg1, %mul3A : i32
    %add3A = arith.addi %mul3A_0, %arg0 : i32
    %mul3A_1 = arith.constant 4 : i32
    %mul3A_2 = arith.muli %add3A, %mul3A_1 : i32
    "tpu.region"() ({
      %run_scoped3A = tpu.sem_alloc : memref<!tpu.dma_semaphore, #tpu.memory_space<semaphore_mem>>
      %dma_start3A_230 = arith.constant 0 : i32
      %dma_start3A_231 = tpu.memref_slice %arg3[%mul3A_2, %dma_start3A_230] : memref<128x128xi32, #tpu.memory_space<hbm>> -> memref<4x128xi32, #tpu.memory_space<hbm>>
      %dma_start3A_232 = arith.constant 0 : i32
      %dma_start3A_233 = tpu.memref_slice %arg3[%mul3A_2, %dma_start3A_232] : memref<128x128xi32, #tpu.memory_space<hbm>> -> memref<4x128xi32, #tpu.memory_space<hbm>>
      tpu.enqueue_dma source(%dma_start3A_233 : memref<4x128xi32, #tpu.memory_space<hbm>>) target(%arg6 : memref<4x128xi32, #tpu.memory_space<vmem>>) target_semaphore(%run_scoped3A : memref<!tpu.dma_semaphore, #tpu.memory_space<semaphore_mem>>)
      %dma_wait3A_234 = arith.constant 0 : i32
      %dma_wait3A_235 = tpu.memref_slice %arg3[%mul3A_2, %dma_wait3A_234] : memref<128x128xi32, #tpu.memory_space<hbm>> -> memref<4x128xi32, #tpu.memory_space<hbm>>
      %dma_wait3A_236 = arith.constant 0 : i32
      %dma_wait3A_237 = tpu.memref_slice %arg3[%mul3A_2, %dma_wait3A_236] : memref<128x128xi32, #tpu.memory_space<hbm>> -> memref<4x128xi32, #tpu.memory_space<hbm>>
      tpu.wait_dma2 semaphore(%run_scoped3A : memref<!tpu.dma_semaphore, #tpu.memory_space<semaphore_mem>>) src(%dma_wait3A_237 : memref<4x128xi32, #tpu.memory_space<hbm>>) dst(%arg6 : memref<4x128xi32, #tpu.memory_space<vmem>>)
      tpu.yield
    }) : () -> ()
    %dma_start3A = arith.constant 0 : i32
    %dma_start3A_3 = arith.constant 0 : i32
    %dma_start3A_4 = arith.constant 0 : i32
    %dma_start3A_5 = arith.constant 0 : i32
    %dma_start3A_6 = tpu.memref_slice %arg7[%dma_start3A_3, %dma_start3A_4, %dma_start3A_5] : memref<4x128x32xf32, #tpu.memory_space<vmem>> -> memref<1x128x32xf32, #tpu.memory_space<vmem>>
    %dma_start3A_7 = tpu.memref_squeeze %dma_start3A_6 : memref<1x128x32xf32, #tpu.memory_space<vmem>> -> memref<128x32xf32, #tpu.memory_space<vmem>>
    %dma_start3A_8 = arith.constant 0 : i32
    %dma_start3A_9 = tpu.memref_slice %arg6[%dma_start3A, %dma_start3A_8] : memref<4x128xi32, #tpu.memory_space<vmem>> -> memref<1x128xi32, #tpu.memory_space<vmem>>
    %dma_start3A_10 = tpu.memref_squeeze %dma_start3A_9 : memref<1x128xi32, #tpu.memory_space<vmem>> -> memref<128xi32, #tpu.memory_space<vmem>>
    %dma_start3A_11 = arith.constant 0 : i32
    %dma_start3A_12 = arith.constant 0 : i32
    %dma_start3A_13 = tpu.memref_slice %arg2[%dma_start3A_11, %dma_start3A_12] : memref<8192x32xf32, #tpu.memory_space<hbm>> -> memref<8192x32xf32, #tpu.memory_space<hbm>>
    tpu.enqueue_indirect_dma source(%dma_start3A_13 : memref<8192x32xf32, #tpu.memory_space<hbm>>) target(%dma_start3A_7 : memref<128x32xf32, #tpu.memory_space<vmem>>) offsets(%dma_start3A_10 : memref<128xi32, #tpu.memory_space<vmem>>) semaphore(%arg9 : memref<!tpu.dma_semaphore, #tpu.memory_space<semaphore_mem>>)
    %dma_start3A_14 = arith.constant 1 : i32
    %dma_start3A_15 = arith.constant 1 : i32
    %dma_start3A_16 = arith.constant 0 : i32
    %dma_start3A_17 = arith.constant 0 : i32
    %dma_start3A_18 = tpu.memref_slice %arg7[%dma_start3A_15, %dma_start3A_16, %dma_start3A_17] : memref<4x128x32xf32, #tpu.memory_space<vmem>> -> memref<1x128x32xf32, #tpu.memory_space<vmem>>
    %dma_start3A_19 = tpu.memref_squeeze %dma_start3A_18 : memref<1x128x32xf32, #tpu.memory_space<vmem>> -> memref<128x32xf32, #tpu.memory_space<vmem>>
    %dma_start3A_20 = arith.constant 0 : i32
    %dma_start3A_21 = tpu.memref_slice %arg6[%dma_start3A_14, %dma_start3A_20] : memref<4x128xi32, #tpu.memory_space<vmem>> -> memref<1x128xi32, #tpu.memory_space<vmem>>
    %dma_start3A_22 = tpu.memref_squeeze %dma_start3A_21 : memref<1x128xi32, #tpu.memory_space<vmem>> -> memref<128xi32, #tpu.memory_space<vmem>>
    %dma_start3A_23 = arith.constant 0 : i32
    %dma_start3A_24 = arith.constant 0 : i32
    %dma_start3A_25 = tpu.memref_slice %arg2[%dma_start3A_23, %dma_start3A_24] : memref<8192x32xf32, #tpu.memory_space<hbm>> -> memref<8192x32xf32, #tpu.memory_space<hbm>>
    tpu.enqueue_indirect_dma source(%dma_start3A_25 : memref<8192x32xf32, #tpu.memory_space<hbm>>) target(%dma_start3A_19 : memref<128x32xf32, #tpu.memory_space<vmem>>) offsets(%dma_start3A_22 : memref<128xi32, #tpu.memory_space<vmem>>) semaphore(%arg9 : memref<!tpu.dma_semaphore, #tpu.memory_space<semaphore_mem>>)
    %dma_start3A_26 = arith.constant 2 : i32
    %dma_start3A_27 = arith.constant 2 : i32
    %dma_start3A_28 = arith.constant 0 : i32
    %dma_start3A_29 = arith.constant 0 : i32
    %dma_start3A_30 = tpu.memref_slice %arg7[%dma_start3A_27, %dma_start3A_28, %dma_start3A_29] : memref<4x128x32xf32, #tpu.memory_space<vmem>> -> memref<1x128x32xf32, #tpu.memory_space<vmem>>
    %dma_start3A_31 = tpu.memref_squeeze %dma_start3A_30 : memref<1x128x32xf32, #tpu.memory_space<vmem>> -> memref<128x32xf32, #tpu.memory_space<vmem>>
    %dma_start3A_32 = arith.constant 0 : i32
    %dma_start3A_33 = tpu.memref_slice %arg6[%dma_start3A_26, %dma_start3A_32] : memref<4x128xi32, #tpu.memory_space<vmem>> -> memref<1x128xi32, #tpu.memory_space<vmem>>
    %dma_start3A_34 = tpu.memref_squeeze %dma_start3A_33 : memref<1x128xi32, #tpu.memory_space<vmem>> -> memref<128xi32, #tpu.memory_space<vmem>>
    %dma_start3A_35 = arith.constant 0 : i32
    %dma_start3A_36 = arith.constant 0 : i32
    %dma_start3A_37 = tpu.memref_slice %arg2[%dma_start3A_35, %dma_start3A_36] : memref<8192x32xf32, #tpu.memory_space<hbm>> -> memref<8192x32xf32, #tpu.memory_space<hbm>>
    tpu.enqueue_indirect_dma source(%dma_start3A_37 : memref<8192x32xf32, #tpu.memory_space<hbm>>) target(%dma_start3A_31 : memref<128x32xf32, #tpu.memory_space<vmem>>) offsets(%dma_start3A_34 : memref<128xi32, #tpu.memory_space<vmem>>) semaphore(%arg9 : memref<!tpu.dma_semaphore, #tpu.memory_space<semaphore_mem>>)
    %dma_start3A_38 = arith.constant 3 : i32
    %dma_start3A_39 = arith.constant 3 : i32
    %dma_start3A_40 = arith.constant 0 : i32
    %dma_start3A_41 = arith.constant 0 : i32
    %dma_start3A_42 = tpu.memref_slice %arg7[%dma_start3A_39, %dma_start3A_40, %dma_start3A_41] : memref<4x128x32xf32, #tpu.memory_space<vmem>> -> memref<1x128x32xf32, #tpu.memory_space<vmem>>
    %dma_start3A_43 = tpu.memref_squeeze %dma_start3A_42 : memref<1x128x32xf32, #tpu.memory_space<vmem>> -> memref<128x32xf32, #tpu.memory_space<vmem>>
    %dma_start3A_44 = arith.constant 0 : i32
    %dma_start3A_45 = tpu.memref_slice %arg6[%dma_start3A_38, %dma_start3A_44] : memref<4x128xi32, #tpu.memory_space<vmem>> -> memref<1x128xi32, #tpu.memory_space<vmem>>
    %dma_start3A_46 = tpu.memref_squeeze %dma_start3A_45 : memref<1x128xi32, #tpu.memory_space<vmem>> -> memref<128xi32, #tpu.memory_space<vmem>>
    %dma_start3A_47 = arith.constant 0 : i32
    %dma_start3A_48 = arith.constant 0 : i32
    %dma_start3A_49 = tpu.memref_slice %arg2[%dma_start3A_47, %dma_start3A_48] : memref<8192x32xf32, #tpu.memory_space<hbm>> -> memref<8192x32xf32, #tpu.memory_space<hbm>>
    tpu.enqueue_indirect_dma source(%dma_start3A_49 : memref<8192x32xf32, #tpu.memory_space<hbm>>) target(%dma_start3A_43 : memref<128x32xf32, #tpu.memory_space<vmem>>) offsets(%dma_start3A_46 : memref<128xi32, #tpu.memory_space<vmem>>) semaphore(%arg9 : memref<!tpu.dma_semaphore, #tpu.memory_space<semaphore_mem>>)
    %scan3A = arith.constant 0 : i32
    %scan3A_50 = arith.constant 0 : i32
    %scan3A_51 = arith.constant 512 : i32
    %scan3A_52 = arith.addi %scan3A_50, %scan3A_51 : i32
    %scan3A_53 = arith.constant 8 : i32
    scf.for %scan3A_230 = %scan3A_50 to %scan3A_52 step %scan3A_53  : i32 {
      %broadcast_in_dim3A_231 = arith.constant 0.000000e+00 : f32
      %broadcast_in_dim3A_232 = vector.broadcast %broadcast_in_dim3A_231 : f32 to vector<16xf32>
      %mul3A_233 = arith.constant 16 : i32
      %mul3A_234 = arith.muli %scan3A_230, %mul3A_233 : i32
      %swap3A = arith.index_cast %mul3A_234 : i32 to index
      %swap3A_235 = tpu.vector_load %arg8[%swap3A] {strides = array<i32>} : memref<8192xf32, #tpu.memory_space<vmem>>, vector<16xf32>,
      tpu.vector_store %arg8[%swap3A], %broadcast_in_dim3A_232 {strides = array<i32>} : memref<8192xf32, #tpu.memory_space<vmem>>, vector<16xf32>,
      %scan3A_236 = arith.constant 1 : i32
      %scan3A_237 = arith.addi %scan3A_230, %scan3A_236 : i32
      %broadcast_in_dim3A_238 = arith.constant 0.000000e+00 : f32
      %broadcast_in_dim3A_239 = vector.broadcast %broadcast_in_dim3A_238 : f32 to vector<16xf32>
      %mul3A_240 = arith.constant 16 : i32
      %mul3A_241 = arith.muli %scan3A_237, %mul3A_240 : i32
      %swap3A_242 = arith.index_cast %mul3A_241 : i32 to index
      %swap3A_243 = tpu.vector_load %arg8[%swap3A_242] {strides = array<i32>} : memref<8192xf32, #tpu.memory_space<vmem>>, vector<16xf32>,
      tpu.vector_store %arg8[%swap3A_242], %broadcast_in_dim3A_239 {strides = array<i32>} : memref<8192xf32, #tpu.memory_space<vmem>>, vector<16xf32>,
      %scan3A_244 = arith.constant 2 : i32
      %scan3A_245 = arith.addi %scan3A_230, %scan3A_244 : i32
      %broadcast_in_dim3A_246 = arith.constant 0.000000e+00 : f32
      %broadcast_in_dim3A_247 = vector.broadcast %broadcast_in_dim3A_246 : f32 to vector<16xf32>
      %mul3A_248 = arith.constant 16 : i32
      %mul3A_249 = arith.muli %scan3A_245, %mul3A_248 : i32
      %swap3A_250 = arith.index_cast %mul3A_249 : i32 to index
      %swap3A_251 = tpu.vector_load %arg8[%swap3A_250] {strides = array<i32>} : memref<8192xf32, #tpu.memory_space<vmem>>, vector<16xf32>,
      tpu.vector_store %arg8[%swap3A_250], %broadcast_in_dim3A_247 {strides = array<i32>} : memref<8192xf32, #tpu.memory_space<vmem>>, vector<16xf32>,
      %scan3A_252 = arith.constant 3 : i32
      %scan3A_253 = arith.addi %scan3A_230, %scan3A_252 : i32
      %broadcast_in_dim3A_254 = arith.constant 0.000000e+00 : f32
      %broadcast_in_dim3A_255 = vector.broadcast %broadcast_in_dim3A_254 : f32 to vector<16xf32>
      %mul3A_256 = arith.constant 16 : i32
      %mul3A_257 = arith.muli %scan3A_253, %mul3A_256 : i32
      %swap3A_258 = arith.index_cast %mul3A_257 : i32 to index
      %swap3A_259 = tpu.vector_load %arg8[%swap3A_258] {strides = array<i32>} : memref<8192xf32, #tpu.memory_space<vmem>>, vector<16xf32>,
      tpu.vector_store %arg8[%swap3A_258], %broadcast_in_dim3A_255 {strides = array<i32>} : memref<8192xf32, #tpu.memory_space<vmem>>, vector<16xf32>,
      %scan3A_260 = arith.constant 4 : i32
      %scan3A_261 = arith.addi %scan3A_230, %scan3A_260 : i32
      %broadcast_in_dim3A_262 = arith.constant 0.000000e+00 : f32
      %broadcast_in_dim3A_263 = vector.broadcast %broadcast_in_dim3A_262 : f32 to vector<16xf32>
      %mul3A_264 = arith.constant 16 : i32
      %mul3A_265 = arith.muli %scan3A_261, %mul3A_264 : i32
      %swap3A_266 = arith.index_cast %mul3A_265 : i32 to index
      %swap3A_267 = tpu.vector_load %arg8[%swap3A_266] {strides = array<i32>} : memref<8192xf32, #tpu.memory_space<vmem>>, vector<16xf32>,
      tpu.vector_store %arg8[%swap3A_266], %broadcast_in_dim3A_263 {strides = array<i32>} : memref<8192xf32, #tpu.memory_space<vmem>>, vector<16xf32>,
      %scan3A_268 = arith.constant 5 : i32
      %scan3A_269 = arith.addi %scan3A_230, %scan3A_268 : i32
      %broadcast_in_dim3A_270 = arith.constant 0.000000e+00 : f32
      %broadcast_in_dim3A_271 = vector.broadcast %broadcast_in_dim3A_270 : f32 to vector<16xf32>
      %mul3A_272 = arith.constant 16 : i32
      %mul3A_273 = arith.muli %scan3A_269, %mul3A_272 : i32
      %swap3A_274 = arith.index_cast %mul3A_273 : i32 to index
      %swap3A_275 = tpu.vector_load %arg8[%swap3A_274] {strides = array<i32>} : memref<8192xf32, #tpu.memory_space<vmem>>, vector<16xf32>,
      tpu.vector_store %arg8[%swap3A_274], %broadcast_in_dim3A_271 {strides = array<i32>} : memref<8192xf32, #tpu.memory_space<vmem>>, vector<16xf32>,
      %scan3A_276 = arith.constant 6 : i32
      %scan3A_277 = arith.addi %scan3A_230, %scan3A_276 : i32
      %broadcast_in_dim3A_278 = arith.constant 0.000000e+00 : f32
      %broadcast_in_dim3A_279 = vector.broadcast %broadcast_in_dim3A_278 : f32 to vector<16xf32>
      %mul3A_280 = arith.constant 16 : i32
      %mul3A_281 = arith.muli %scan3A_277, %mul3A_280 : i32
      %swap3A_282 = arith.index_cast %mul3A_281 : i32 to index
      %swap3A_283 = tpu.vector_load %arg8[%swap3A_282] {strides = array<i32>} : memref<8192xf32, #tpu.memory_space<vmem>>, vector<16xf32>,
      tpu.vector_store %arg8[%swap3A_282], %broadcast_in_dim3A_279 {strides = array<i32>} : memref<8192xf32, #tpu.memory_space<vmem>>, vector<16xf32>,
      %scan3A_284 = arith.constant 7 : i32
      %scan3A_285 = arith.addi %scan3A_230, %scan3A_284 : i32
      %broadcast_in_dim3A_286 = arith.constant 0.000000e+00 : f32
      %broadcast_in_dim3A_287 = vector.broadcast %broadcast_in_dim3A_286 : f32 to vector<16xf32>
      %mul3A_288 = arith.constant 16 : i32
      %mul3A_289 = arith.muli %scan3A_285, %mul3A_288 : i32
      %swap3A_290 = arith.index_cast %mul3A_289 : i32 to index
      %swap3A_291 = tpu.vector_load %arg8[%swap3A_290] {strides = array<i32>} : memref<8192xf32, #tpu.memory_space<vmem>>, vector<16xf32>,
      tpu.vector_store %arg8[%swap3A_290], %broadcast_in_dim3A_287 {strides = array<i32>} : memref<8192xf32, #tpu.memory_space<vmem>>, vector<16xf32>,
    }
    %scan3A_54 = arith.constant 512 : i32
    %broadcast_in_dim3A = arith.constant 1.000000e+00 : f32
    %broadcast_in_dim3A_55 = vector.broadcast %broadcast_in_dim3A : f32 to vector<16xf32>
    %get3A = arith.constant 0 : i32
    %get3A_56 = arith.index_cast %get3A : i32 to index
    %get3A_57 = arith.constant 0 : index
    %get3A_58 = tpu.vector_load %arg6[%get3A_56, %get3A_57] {strides = array<i32>} : memref<4x128xi32, #tpu.memory_space<vmem>>, vector<16xi32>,
    tpu.vector_store_idx %arg8[%get3A_58], %broadcast_in_dim3A_55 {add = true} : memref<8192xf32, #tpu.memory_space<vmem>>[vector<16xi32>], vector<16xf32>,
    %get3A_59 = arith.constant 0 : i32
    %get3A_60 = arith.index_cast %get3A_59 : i32 to index
    %get3A_61 = arith.constant 16 : index
    %get3A_62 = tpu.vector_load %arg6[%get3A_60, %get3A_61] {strides = array<i32>} : memref<4x128xi32, #tpu.memory_space<vmem>>, vector<16xi32>,
    tpu.vector_store_idx %arg8[%get3A_62], %broadcast_in_dim3A_55 {add = true} : memref<8192xf32, #tpu.memory_space<vmem>>[vector<16xi32>], vector<16xf32>,
    %get3A_63 = arith.constant 0 : i32
    %get3A_64 = arith.index_cast %get3A_63 : i32 to index
    %get3A_65 = arith.constant 32 : index
    %get3A_66 = tpu.vector_load %arg6[%get3A_64, %get3A_65] {strides = array<i32>} : memref<4x128xi32, #tpu.memory_space<vmem>>, vector<16xi32>,
    tpu.vector_store_idx %arg8[%get3A_66], %broadcast_in_dim3A_55 {add = true} : memref<8192xf32, #tpu.memory_space<vmem>>[vector<16xi32>], vector<16xf32>,
    %get3A_67 = arith.constant 0 : i32
    %get3A_68 = arith.index_cast %get3A_67 : i32 to index
    %get3A_69 = arith.constant 48 : index
    %get3A_70 = tpu.vector_load %arg6[%get3A_68, %get3A_69] {strides = array<i32>} : memref<4x128xi32, #tpu.memory_space<vmem>>, vector<16xi32>,
    tpu.vector_store_idx %arg8[%get3A_70], %broadcast_in_dim3A_55 {add = true} : memref<8192xf32, #tpu.memory_space<vmem>>[vector<16xi32>], vector<16xf32>,
    %get3A_71 = arith.constant 0 : i32
    %get3A_72 = arith.index_cast %get3A_71 : i32 to index
    %get3A_73 = arith.constant 64 : index
    %get3A_74 = tpu.vector_load %arg6[%get3A_72, %get3A_73] {strides = array<i32>} : memref<4x128xi32, #tpu.memory_space<vmem>>, vector<16xi32>,
    tpu.vector_store_idx %arg8[%get3A_74], %broadcast_in_dim3A_55 {add = true} : memref<8192xf32, #tpu.memory_space<vmem>>[vector<16xi32>], vector<16xf32>,
    %get3A_75 = arith.constant 0 : i32
    %get3A_76 = arith.index_cast %get3A_75 : i32 to index
    %get3A_77 = arith.constant 80 : index
    %get3A_78 = tpu.vector_load %arg6[%get3A_76, %get3A_77] {strides = array<i32>} : memref<4x128xi32, #tpu.memory_space<vmem>>, vector<16xi32>,
    tpu.vector_store_idx %arg8[%get3A_78], %broadcast_in_dim3A_55 {add = true} : memref<8192xf32, #tpu.memory_space<vmem>>[vector<16xi32>], vector<16xf32>,
    %get3A_79 = arith.constant 0 : i32
    %get3A_80 = arith.index_cast %get3A_79 : i32 to index
    %get3A_81 = arith.constant 96 : index
    %get3A_82 = tpu.vector_load %arg6[%get3A_80, %get3A_81] {strides = array<i32>} : memref<4x128xi32, #tpu.memory_space<vmem>>, vector<16xi32>,
    tpu.vector_store_idx %arg8[%get3A_82], %broadcast_in_dim3A_55 {add = true} : memref<8192xf32, #tpu.memory_space<vmem>>[vector<16xi32>], vector<16xf32>,
    %get3A_83 = arith.constant 0 : i32
    %get3A_84 = arith.index_cast %get3A_83 : i32 to index
    %get3A_85 = arith.constant 112 : index
    %get3A_86 = tpu.vector_load %arg6[%get3A_84, %get3A_85] {strides = array<i32>} : memref<4x128xi32, #tpu.memory_space<vmem>>, vector<16xi32>,
    tpu.vector_store_idx %arg8[%get3A_86], %broadcast_in_dim3A_55 {add = true} : memref<8192xf32, #tpu.memory_space<vmem>>[vector<16xi32>], vector<16xf32>,
    %get3A_87 = arith.constant 1 : i32
    %get3A_88 = arith.index_cast %get3A_87 : i32 to index
    %get3A_89 = arith.constant 0 : index
    %get3A_90 = tpu.vector_load %arg6[%get3A_88, %get3A_89] {strides = array<i32>} : memref<4x128xi32, #tpu.memory_space<vmem>>, vector<16xi32>,
    tpu.vector_store_idx %arg8[%get3A_90], %broadcast_in_dim3A_55 {add = true} : memref<8192xf32, #tpu.memory_space<vmem>>[vector<16xi32>], vector<16xf32>,
    %get3A_91 = arith.constant 1 : i32
    %get3A_92 = arith.index_cast %get3A_91 : i32 to index
    %get3A_93 = arith.constant 16 : index
    %get3A_94 = tpu.vector_load %arg6[%get3A_92, %get3A_93] {strides = array<i32>} : memref<4x128xi32, #tpu.memory_space<vmem>>, vector<16xi32>,
    tpu.vector_store_idx %arg8[%get3A_94], %broadcast_in_dim3A_55 {add = true} : memref<8192xf32, #tpu.memory_space<vmem>>[vector<16xi32>], vector<16xf32>,
    %get3A_95 = arith.constant 1 : i32
    %get3A_96 = arith.index_cast %get3A_95 : i32 to index
    %get3A_97 = arith.constant 32 : index
    %get3A_98 = tpu.vector_load %arg6[%get3A_96, %get3A_97] {strides = array<i32>} : memref<4x128xi32, #tpu.memory_space<vmem>>, vector<16xi32>,
    tpu.vector_store_idx %arg8[%get3A_98], %broadcast_in_dim3A_55 {add = true} : memref<8192xf32, #tpu.memory_space<vmem>>[vector<16xi32>], vector<16xf32>,
    %get3A_99 = arith.constant 1 : i32
    %get3A_100 = arith.index_cast %get3A_99 : i32 to index
    %get3A_101 = arith.constant 48 : index
    %get3A_102 = tpu.vector_load %arg6[%get3A_100, %get3A_101] {strides = array<i32>} : memref<4x128xi32, #tpu.memory_space<vmem>>, vector<16xi32>,
    tpu.vector_store_idx %arg8[%get3A_102], %broadcast_in_dim3A_55 {add = true} : memref<8192xf32, #tpu.memory_space<vmem>>[vector<16xi32>], vector<16xf32>,
    %get3A_103 = arith.constant 1 : i32
    %get3A_104 = arith.index_cast %get3A_103 : i32 to index
    %get3A_105 = arith.constant 64 : index
    %get3A_106 = tpu.vector_load %arg6[%get3A_104, %get3A_105] {strides = array<i32>} : memref<4x128xi32, #tpu.memory_space<vmem>>, vector<16xi32>,
    tpu.vector_store_idx %arg8[%get3A_106], %broadcast_in_dim3A_55 {add = true} : memref<8192xf32, #tpu.memory_space<vmem>>[vector<16xi32>], vector<16xf32>,
    %get3A_107 = arith.constant 1 : i32
    %get3A_108 = arith.index_cast %get3A_107 : i32 to index
    %get3A_109 = arith.constant 80 : index
    %get3A_110 = tpu.vector_load %arg6[%get3A_108, %get3A_109] {strides = array<i32>} : memref<4x128xi32, #tpu.memory_space<vmem>>, vector<16xi32>,
    tpu.vector_store_idx %arg8[%get3A_110], %broadcast_in_dim3A_55 {add = true} : memref<8192xf32, #tpu.memory_space<vmem>>[vector<16xi32>], vector<16xf32>,
    %get3A_111 = arith.constant 1 : i32
    %get3A_112 = arith.index_cast %get3A_111 : i32 to index
    %get3A_113 = arith.constant 96 : index
    %get3A_114 = tpu.vector_load %arg6[%get3A_112, %get3A_113] {strides = array<i32>} : memref<4x128xi32, #tpu.memory_space<vmem>>, vector<16xi32>,
    tpu.vector_store_idx %arg8[%get3A_114], %broadcast_in_dim3A_55 {add = true} : memref<8192xf32, #tpu.memory_space<vmem>>[vector<16xi32>], vector<16xf32>,
    %get3A_115 = arith.constant 1 : i32
    %get3A_116 = arith.index_cast %get3A_115 : i32 to index
    %get3A_117 = arith.constant 112 : index
    %get3A_118 = tpu.vector_load %arg6[%get3A_116, %get3A_117] {strides = array<i32>} : memref<4x128xi32, #tpu.memory_space<vmem>>, vector<16xi32>,
    tpu.vector_store_idx %arg8[%get3A_118], %broadcast_in_dim3A_55 {add = true} : memref<8192xf32, #tpu.memory_space<vmem>>[vector<16xi32>], vector<16xf32>,
    %get3A_119 = arith.constant 2 : i32
    %get3A_120 = arith.index_cast %get3A_119 : i32 to index
    %get3A_121 = arith.constant 0 : index
    %get3A_122 = tpu.vector_load %arg6[%get3A_120, %get3A_121] {strides = array<i32>} : memref<4x128xi32, #tpu.memory_space<vmem>>, vector<16xi32>,
    tpu.vector_store_idx %arg8[%get3A_122], %broadcast_in_dim3A_55 {add = true} : memref<8192xf32, #tpu.memory_space<vmem>>[vector<16xi32>], vector<16xf32>,
    %get3A_123 = arith.constant 2 : i32
    %get3A_124 = arith.index_cast %get3A_123 : i32 to index
    %get3A_125 = arith.constant 16 : index
    %get3A_126 = tpu.vector_load %arg6[%get3A_124, %get3A_125] {strides = array<i32>} : memref<4x128xi32, #tpu.memory_space<vmem>>, vector<16xi32>,
    tpu.vector_store_idx %arg8[%get3A_126], %broadcast_in_dim3A_55 {add = true} : memref<8192xf32, #tpu.memory_space<vmem>>[vector<16xi32>], vector<16xf32>,
    %get3A_127 = arith.constant 2 : i32
    %get3A_128 = arith.index_cast %get3A_127 : i32 to index
    %get3A_129 = arith.constant 32 : index
    %get3A_130 = tpu.vector_load %arg6[%get3A_128, %get3A_129] {strides = array<i32>} : memref<4x128xi32, #tpu.memory_space<vmem>>, vector<16xi32>,
    tpu.vector_store_idx %arg8[%get3A_130], %broadcast_in_dim3A_55 {add = true} : memref<8192xf32, #tpu.memory_space<vmem>>[vector<16xi32>], vector<16xf32>,
    %get3A_131 = arith.constant 2 : i32
    %get3A_132 = arith.index_cast %get3A_131 : i32 to index
    %get3A_133 = arith.constant 48 : index
    %get3A_134 = tpu.vector_load %arg6[%get3A_132, %get3A_133] {strides = array<i32>} : memref<4x128xi32, #tpu.memory_space<vmem>>, vector<16xi32>,
    tpu.vector_store_idx %arg8[%get3A_134], %broadcast_in_dim3A_55 {add = true} : memref<8192xf32, #tpu.memory_space<vmem>>[vector<16xi32>], vector<16xf32>,
    %get3A_135 = arith.constant 2 : i32
    %get3A_136 = arith.index_cast %get3A_135 : i32 to index
    %get3A_137 = arith.constant 64 : index
    %get3A_138 = tpu.vector_load %arg6[%get3A_136, %get3A_137] {strides = array<i32>} : memref<4x128xi32, #tpu.memory_space<vmem>>, vector<16xi32>,
    tpu.vector_store_idx %arg8[%get3A_138], %broadcast_in_dim3A_55 {add = true} : memref<8192xf32, #tpu.memory_space<vmem>>[vector<16xi32>], vector<16xf32>,
    %get3A_139 = arith.constant 2 : i32
    %get3A_140 = arith.index_cast %get3A_139 : i32 to index
    %get3A_141 = arith.constant 80 : index
    %get3A_142 = tpu.vector_load %arg6[%get3A_140, %get3A_141] {strides = array<i32>} : memref<4x128xi32, #tpu.memory_space<vmem>>, vector<16xi32>,
    tpu.vector_store_idx %arg8[%get3A_142], %broadcast_in_dim3A_55 {add = true} : memref<8192xf32, #tpu.memory_space<vmem>>[vector<16xi32>], vector<16xf32>,
    %get3A_143 = arith.constant 2 : i32
    %get3A_144 = arith.index_cast %get3A_143 : i32 to index
    %get3A_145 = arith.constant 96 : index
    %get3A_146 = tpu.vector_load %arg6[%get3A_144, %get3A_145] {strides = array<i32>} : memref<4x128xi32, #tpu.memory_space<vmem>>, vector<16xi32>,
    tpu.vector_store_idx %arg8[%get3A_146], %broadcast_in_dim3A_55 {add = true} : memref<8192xf32, #tpu.memory_space<vmem>>[vector<16xi32>], vector<16xf32>,
    %get3A_147 = arith.constant 2 : i32
    %get3A_148 = arith.index_cast %get3A_147 : i32 to index
    %get3A_149 = arith.constant 112 : index
    %get3A_150 = tpu.vector_load %arg6[%get3A_148, %get3A_149] {strides = array<i32>} : memref<4x128xi32, #tpu.memory_space<vmem>>, vector<16xi32>,
    tpu.vector_store_idx %arg8[%get3A_150], %broadcast_in_dim3A_55 {add = true} : memref<8192xf32, #tpu.memory_space<vmem>>[vector<16xi32>], vector<16xf32>,
    %get3A_151 = arith.constant 3 : i32
    %get3A_152 = arith.index_cast %get3A_151 : i32 to index
    %get3A_153 = arith.constant 0 : index
    %get3A_154 = tpu.vector_load %arg6[%get3A_152, %get3A_153] {strides = array<i32>} : memref<4x128xi32, #tpu.memory_space<vmem>>, vector<16xi32>,
    tpu.vector_store_idx %arg8[%get3A_154], %broadcast_in_dim3A_55 {add = true} : memref<8192xf32, #tpu.memory_space<vmem>>[vector<16xi32>], vector<16xf32>,
    %get3A_155 = arith.constant 3 : i32
    %get3A_156 = arith.index_cast %get3A_155 : i32 to index
    %get3A_157 = arith.constant 16 : index
    %get3A_158 = tpu.vector_load %arg6[%get3A_156, %get3A_157] {strides = array<i32>} : memref<4x128xi32, #tpu.memory_space<vmem>>, vector<16xi32>,
    tpu.vector_store_idx %arg8[%get3A_158], %broadcast_in_dim3A_55 {add = true} : memref<8192xf32, #tpu.memory_space<vmem>>[vector<16xi32>], vector<16xf32>,
    %get3A_159 = arith.constant 3 : i32
    %get3A_160 = arith.index_cast %get3A_159 : i32 to index
    %get3A_161 = arith.constant 32 : index
    %get3A_162 = tpu.vector_load %arg6[%get3A_160, %get3A_161] {strides = array<i32>} : memref<4x128xi32, #tpu.memory_space<vmem>>, vector<16xi32>,
    tpu.vector_store_idx %arg8[%get3A_162], %broadcast_in_dim3A_55 {add = true} : memref<8192xf32, #tpu.memory_space<vmem>>[vector<16xi32>], vector<16xf32>,
    %get3A_163 = arith.constant 3 : i32
    %get3A_164 = arith.index_cast %get3A_163 : i32 to index
    %get3A_165 = arith.constant 48 : index
    %get3A_166 = tpu.vector_load %arg6[%get3A_164, %get3A_165] {strides = array<i32>} : memref<4x128xi32, #tpu.memory_space<vmem>>, vector<16xi32>,
    tpu.vector_store_idx %arg8[%get3A_166], %broadcast_in_dim3A_55 {add = true} : memref<8192xf32, #tpu.memory_space<vmem>>[vector<16xi32>], vector<16xf32>,
    %get3A_167 = arith.constant 3 : i32
    %get3A_168 = arith.index_cast %get3A_167 : i32 to index
    %get3A_169 = arith.constant 64 : index
    %get3A_170 = tpu.vector_load %arg6[%get3A_168, %get3A_169] {strides = array<i32>} : memref<4x128xi32, #tpu.memory_space<vmem>>, vector<16xi32>,
    tpu.vector_store_idx %arg8[%get3A_170], %broadcast_in_dim3A_55 {add = true} : memref<8192xf32, #tpu.memory_space<vmem>>[vector<16xi32>], vector<16xf32>,
    %get3A_171 = arith.constant 3 : i32
    %get3A_172 = arith.index_cast %get3A_171 : i32 to index
    %get3A_173 = arith.constant 80 : index
    %get3A_174 = tpu.vector_load %arg6[%get3A_172, %get3A_173] {strides = array<i32>} : memref<4x128xi32, #tpu.memory_space<vmem>>, vector<16xi32>,
    tpu.vector_store_idx %arg8[%get3A_174], %broadcast_in_dim3A_55 {add = true} : memref<8192xf32, #tpu.memory_space<vmem>>[vector<16xi32>], vector<16xf32>,
    %get3A_175 = arith.constant 3 : i32
    %get3A_176 = arith.index_cast %get3A_175 : i32 to index
    %get3A_177 = arith.constant 96 : index
    %get3A_178 = tpu.vector_load %arg6[%get3A_176, %get3A_177] {strides = array<i32>} : memref<4x128xi32, #tpu.memory_space<vmem>>, vector<16xi32>,
    tpu.vector_store_idx %arg8[%get3A_178], %broadcast_in_dim3A_55 {add = true} : memref<8192xf32, #tpu.memory_space<vmem>>[vector<16xi32>], vector<16xf32>,
    %get3A_179 = arith.constant 3 : i32
    %get3A_180 = arith.index_cast %get3A_179 : i32 to index
    %get3A_181 = arith.constant 112 : index
    %get3A_182 = tpu.vector_load %arg6[%get3A_180, %get3A_181] {strides = array<i32>} : memref<4x128xi32, #tpu.memory_space<vmem>>, vector<16xi32>,
    tpu.vector_store_idx %arg8[%get3A_182], %broadcast_in_dim3A_55 {add = true} : memref<8192xf32, #tpu.memory_space<vmem>>[vector<16xi32>], vector<16xf32>,
    "tpu.region"() ({
      %run_scoped3A = tpu.sem_alloc : memref<!tpu.dma_semaphore, #tpu.memory_space<semaphore_mem>>
      %dma_start3A_230 = arith.constant 0 : i32
      %dma_start3A_231 = tpu.memref_slice %arg5[%add3A, %dma_start3A_230] : memref<32x8192xf32, #tpu.memory_space<hbm>> -> memref<1x8192xf32, #tpu.memory_space<hbm>>
      %dma_start3A_232 = tpu.memref_squeeze %dma_start3A_231 : memref<1x8192xf32, #tpu.memory_space<hbm>> -> memref<8192xf32, #tpu.memory_space<hbm>>
      %dma_start3A_233 = arith.constant 0 : i32
      %dma_start3A_234 = tpu.memref_slice %arg5[%add3A, %dma_start3A_233] : memref<32x8192xf32, #tpu.memory_space<hbm>> -> memref<1x8192xf32, #tpu.memory_space<hbm>>
      %dma_start3A_235 = tpu.memref_squeeze %dma_start3A_234 : memref<1x8192xf32, #tpu.memory_space<hbm>> -> memref<8192xf32, #tpu.memory_space<hbm>>
      tpu.enqueue_dma source(%arg8 : memref<8192xf32, #tpu.memory_space<vmem>>) target(%dma_start3A_235 : memref<8192xf32, #tpu.memory_space<hbm>>) target_semaphore(%run_scoped3A : memref<!tpu.dma_semaphore, #tpu.memory_space<semaphore_mem>>)
      %dma_wait3A_236 = arith.constant 0 : i32
      %dma_wait3A_237 = tpu.memref_slice %arg5[%add3A, %dma_wait3A_236] : memref<32x8192xf32, #tpu.memory_space<hbm>> -> memref<1x8192xf32, #tpu.memory_space<hbm>>
      %dma_wait3A_238 = tpu.memref_squeeze %dma_wait3A_237 : memref<1x8192xf32, #tpu.memory_space<hbm>> -> memref<8192xf32, #tpu.memory_space<hbm>>
      %dma_wait3A_239 = arith.constant 0 : i32
      %dma_wait3A_240 = tpu.memref_slice %arg5[%add3A, %dma_wait3A_239] : memref<32x8192xf32, #tpu.memory_space<hbm>> -> memref<1x8192xf32, #tpu.memory_space<hbm>>
      %dma_wait3A_241 = tpu.memref_squeeze %dma_wait3A_240 : memref<1x8192xf32, #tpu.memory_space<hbm>> -> memref<8192xf32, #tpu.memory_space<hbm>>
      tpu.wait_dma2 semaphore(%run_scoped3A : memref<!tpu.dma_semaphore, #tpu.memory_space<semaphore_mem>>) src(%arg8 : memref<8192xf32, #tpu.memory_space<vmem>>) dst(%dma_wait3A_241 : memref<8192xf32, #tpu.memory_space<hbm>>)
      tpu.yield
    }) : () -> ()
    %dma_wait3A = arith.constant 0 : i32
    %dma_wait3A_183 = arith.constant 0 : i32
    %dma_wait3A_184 = arith.constant 0 : i32
    %dma_wait3A_185 = arith.constant 0 : i32
    %dma_wait3A_186 = tpu.memref_slice %arg7[%dma_wait3A_183, %dma_wait3A_184, %dma_wait3A_185] : memref<4x128x32xf32, #tpu.memory_space<vmem>> -> memref<1x128x32xf32, #tpu.memory_space<vmem>>
    %dma_wait3A_187 = tpu.memref_squeeze %dma_wait3A_186 : memref<1x128x32xf32, #tpu.memory_space<vmem>> -> memref<128x32xf32, #tpu.memory_space<vmem>>
    %dma_wait3A_188 = arith.constant 0 : i32
    %dma_wait3A_189 = tpu.memref_slice %arg6[%dma_wait3A, %dma_wait3A_188] : memref<4x128xi32, #tpu.memory_space<vmem>> -> memref<1x128xi32, #tpu.memory_space<vmem>>
    %dma_wait3A_190 = tpu.memref_squeeze %dma_wait3A_189 : memref<1x128xi32, #tpu.memory_space<vmem>> -> memref<128xi32, #tpu.memory_space<vmem>>
    %dma_wait3A_191 = arith.constant 0 : i32
    %dma_wait3A_192 = arith.constant 0 : i32
    %dma_wait3A_193 = tpu.memref_slice %arg2[%dma_wait3A_191, %dma_wait3A_192] : memref<8192x32xf32, #tpu.memory_space<hbm>> -> memref<8192x32xf32, #tpu.memory_space<hbm>>
    tpu.wait_indirect_dma semaphore(%arg9 : memref<!tpu.dma_semaphore, #tpu.memory_space<semaphore_mem>>) src(%dma_wait3A_193 : memref<8192x32xf32, #tpu.memory_space<hbm>>) dst(%dma_wait3A_187 : memref<128x32xf32, #tpu.memory_space<vmem>>)
    %dma_wait3A_194 = arith.constant 1 : i32
    %dma_wait3A_195 = arith.constant 1 : i32
    %dma_wait3A_196 = arith.constant 0 : i32
    %dma_wait3A_197 = arith.constant 0 : i32
    %dma_wait3A_198 = tpu.memref_slice %arg7[%dma_wait3A_195, %dma_wait3A_196, %dma_wait3A_197] : memref<4x128x32xf32, #tpu.memory_space<vmem>> -> memref<1x128x32xf32, #tpu.memory_space<vmem>>
    %dma_wait3A_199 = tpu.memref_squeeze %dma_wait3A_198 : memref<1x128x32xf32, #tpu.memory_space<vmem>> -> memref<128x32xf32, #tpu.memory_space<vmem>>
    %dma_wait3A_200 = arith.constant 0 : i32
    %dma_wait3A_201 = tpu.memref_slice %arg6[%dma_wait3A_194, %dma_wait3A_200] : memref<4x128xi32, #tpu.memory_space<vmem>> -> memref<1x128xi32, #tpu.memory_space<vmem>>
    %dma_wait3A_202 = tpu.memref_squeeze %dma_wait3A_201 : memref<1x128xi32, #tpu.memory_space<vmem>> -> memref<128xi32, #tpu.memory_space<vmem>>
    %dma_wait3A_203 = arith.constant 0 : i32
    %dma_wait3A_204 = arith.constant 0 : i32
    %dma_wait3A_205 = tpu.memref_slice %arg2[%dma_wait3A_203, %dma_wait3A_204] : memref<8192x32xf32, #tpu.memory_space<hbm>> -> memref<8192x32xf32, #tpu.memory_space<hbm>>
    tpu.wait_indirect_dma semaphore(%arg9 : memref<!tpu.dma_semaphore, #tpu.memory_space<semaphore_mem>>) src(%dma_wait3A_205 : memref<8192x32xf32, #tpu.memory_space<hbm>>) dst(%dma_wait3A_199 : memref<128x32xf32, #tpu.memory_space<vmem>>)
    %dma_wait3A_206 = arith.constant 2 : i32
    %dma_wait3A_207 = arith.constant 2 : i32
    %dma_wait3A_208 = arith.constant 0 : i32
    %dma_wait3A_209 = arith.constant 0 : i32
    %dma_wait3A_210 = tpu.memref_slice %arg7[%dma_wait3A_207, %dma_wait3A_208, %dma_wait3A_209] : memref<4x128x32xf32, #tpu.memory_space<vmem>> -> memref<1x128x32xf32, #tpu.memory_space<vmem>>
    %dma_wait3A_211 = tpu.memref_squeeze %dma_wait3A_210 : memref<1x128x32xf32, #tpu.memory_space<vmem>> -> memref<128x32xf32, #tpu.memory_space<vmem>>
    %dma_wait3A_212 = arith.constant 0 : i32
    %dma_wait3A_213 = tpu.memref_slice %arg6[%dma_wait3A_206, %dma_wait3A_212] : memref<4x128xi32, #tpu.memory_space<vmem>> -> memref<1x128xi32, #tpu.memory_space<vmem>>
    %dma_wait3A_214 = tpu.memref_squeeze %dma_wait3A_213 : memref<1x128xi32, #tpu.memory_space<vmem>> -> memref<128xi32, #tpu.memory_space<vmem>>
    %dma_wait3A_215 = arith.constant 0 : i32
    %dma_wait3A_216 = arith.constant 0 : i32
    %dma_wait3A_217 = tpu.memref_slice %arg2[%dma_wait3A_215, %dma_wait3A_216] : memref<8192x32xf32, #tpu.memory_space<hbm>> -> memref<8192x32xf32, #tpu.memory_space<hbm>>
    tpu.wait_indirect_dma semaphore(%arg9 : memref<!tpu.dma_semaphore, #tpu.memory_space<semaphore_mem>>) src(%dma_wait3A_217 : memref<8192x32xf32, #tpu.memory_space<hbm>>) dst(%dma_wait3A_211 : memref<128x32xf32, #tpu.memory_space<vmem>>)
    %dma_wait3A_218 = arith.constant 3 : i32
    %dma_wait3A_219 = arith.constant 3 : i32
    %dma_wait3A_220 = arith.constant 0 : i32
    %dma_wait3A_221 = arith.constant 0 : i32
    %dma_wait3A_222 = tpu.memref_slice %arg7[%dma_wait3A_219, %dma_wait3A_220, %dma_wait3A_221] : memref<4x128x32xf32, #tpu.memory_space<vmem>> -> memref<1x128x32xf32, #tpu.memory_space<vmem>>
    %dma_wait3A_223 = tpu.memref_squeeze %dma_wait3A_222 : memref<1x128x32xf32, #tpu.memory_space<vmem>> -> memref<128x32xf32, #tpu.memory_space<vmem>>
    %dma_wait3A_224 = arith.constant 0 : i32
    %dma_wait3A_225 = tpu.memref_slice %arg6[%dma_wait3A_218, %dma_wait3A_224] : memref<4x128xi32, #tpu.memory_space<vmem>> -> memref<1x128xi32, #tpu.memory_space<vmem>>
    %dma_wait3A_226 = tpu.memref_squeeze %dma_wait3A_225 : memref<1x128xi32, #tpu.memory_space<vmem>> -> memref<128xi32, #tpu.memory_space<vmem>>
    %dma_wait3A_227 = arith.constant 0 : i32
    %dma_wait3A_228 = arith.constant 0 : i32
    %dma_wait3A_229 = tpu.memref_slice %arg2[%dma_wait3A_227, %dma_wait3A_228] : memref<8192x32xf32, #tpu.memory_space<hbm>> -> memref<8192x32xf32, #tpu.memory_space<hbm>>
    tpu.wait_indirect_dma semaphore(%arg9 : memref<!tpu.dma_semaphore, #tpu.memory_space<semaphore_mem>>) src(%dma_wait3A_229 : memref<8192x32xf32, #tpu.memory_space<hbm>>) dst(%dma_wait3A_223 : memref<128x32xf32, #tpu.memory_space<vmem>>)
    "tpu.region"() ({
      %run_scoped3A = tpu.sem_alloc : memref<!tpu.dma_semaphore, #tpu.memory_space<semaphore_mem>>
      %dma_start3A_230 = arith.constant 0 : i32
      %dma_start3A_231 = arith.constant 0 : i32
      %dma_start3A_232 = tpu.memref_slice %arg4[%mul3A_2, %dma_start3A_230, %dma_start3A_231] : memref<128x128x32xf32, #tpu.memory_space<hbm>> -> memref<4x128x32xf32, #tpu.memory_space<hbm>>
      %dma_start3A_233 = arith.constant 0 : i32
      %dma_start3A_234 = arith.constant 0 : i32
      %dma_start3A_235 = tpu.memref_slice %arg4[%mul3A_2, %dma_start3A_233, %dma_start3A_234] : memref<128x128x32xf32, #tpu.memory_space<hbm>> -> memref<4x128x32xf32, #tpu.memory_space<hbm>>
      tpu.enqueue_dma source(%arg7 : memref<4x128x32xf32, #tpu.memory_space<vmem>>) target(%dma_start3A_235 : memref<4x128x32xf32, #tpu.memory_space<hbm>>) target_semaphore(%run_scoped3A : memref<!tpu.dma_semaphore, #tpu.memory_space<semaphore_mem>>)
      %dma_wait3A_236 = arith.constant 0 : i32
      %dma_wait3A_237 = arith.constant 0 : i32
      %dma_wait3A_238 = tpu.memref_slice %arg4[%mul3A_2, %dma_wait3A_236, %dma_wait3A_237] : memref<128x128x32xf32, #tpu.memory_space<hbm>> -> memref<4x128x32xf32, #tpu.memory_space<hbm>>
      %dma_wait3A_239 = arith.constant 0 : i32
      %dma_wait3A_240 = arith.constant 0 : i32
      %dma_wait3A_241 = tpu.memref_slice %arg4[%mul3A_2, %dma_wait3A_239, %dma_wait3A_240] : memref<128x128x32xf32, #tpu.memory_space<hbm>> -> memref<4x128x32xf32, #tpu.memory_space<hbm>>
      tpu.wait_dma2 semaphore(%run_scoped3A : memref<!tpu.dma_semaphore, #tpu.memory_space<semaphore_mem>>) src(%arg7 : memref<4x128x32xf32, #tpu.memory_space<vmem>>) dst(%dma_wait3A_241 : memref<4x128x32xf32, #tpu.memory_space<hbm>>)
      tpu.yield
    }) : () -> ()
    return
  }
}

module attributes {stable_mosaic.version = 14 : i64} {
  func.func @_stats_body(%arg0: i32, %arg1: memref<4096x32xf32, #tpu.memory_space<vmem>>, %arg2: memref<4096x32xf32, #tpu.memory_space<vmem>>, %arg3: memref<32x8192xf32, #tpu.memory_space<vmem>>, %arg4: memref<1x1xf32, #tpu.memory_space<vmem>>, %arg5: memref<1x1xf32, #tpu.memory_space<vmem>>, %arg6: memref<1x1xf32, #tpu.memory_space<smem>>, %arg7: memref<1x1xf32, #tpu.memory_space<smem>>) attributes {dimension_semantics = [#tpu.dimension_semantics<arbitrary>], iteration_bounds = array<i64: 4>, scalar_prefetch = 0 : i64, scratch_operands = 2 : i64, tpu.core_type = #tpu.core_type<tc>, window_params = [{transform_indices = @transform_0, window_bounds = array<i64: 4096, 32>}, {transform_indices = @transform_1, window_bounds = array<i64: 4096, 32>}, {pipeline_mode = #tpu.pipeline_mode<synchronous>, transform_indices = @transform_2, window_bounds = array<i64: 32, 8192>}, {pipeline_mode = #tpu.pipeline_mode<synchronous>, transform_indices = @transform_3, window_bounds = array<i64: 1, 1>}, {pipeline_mode = #tpu.pipeline_mode<synchronous>, transform_indices = @transform_4, window_bounds = array<i64: 1, 1>}]} {
    %eq3A = arith.constant 0 : i32
    %eq3A_0 = arith.cmpi eq, %arg0, %eq3A : i32
    %convert_element_type3A = arith.extui %eq3A_0 : i1 to i32
    %cond3A = arith.constant 0 : i32
    %cond3A_1 = arith.cmpi ne, %convert_element_type3A, %cond3A : i32
    scf.if %cond3A_1 {
      %swap3A_47 = arith.constant 0.000000e+00 : f32
      %swap3A_48 = arith.constant 0 : index
      %swap3A_49 = arith.constant 0 : index
      %swap3A_50 = memref.load %arg6[%swap3A_48, %swap3A_49] : memref<1x1xf32, #tpu.memory_space<smem>>
      memref.store %swap3A_47, %arg6[%swap3A_48, %swap3A_49] : memref<1x1xf32, #tpu.memory_space<smem>>
      %swap3A_51 = arith.constant 0.000000e+00 : f32
      %swap3A_52 = arith.constant 0 : index
      %swap3A_53 = arith.constant 0 : index
      %swap3A_54 = memref.load %arg7[%swap3A_52, %swap3A_53] : memref<1x1xf32, #tpu.memory_space<smem>>
      memref.store %swap3A_51, %arg7[%swap3A_52, %swap3A_53] : memref<1x1xf32, #tpu.memory_space<smem>>
    } else {
    }
    %get3A = arith.constant 0 : index
    %get3A_2 = arith.constant 0 : index
    %get3A_3 = vector.load %arg1[%get3A, %get3A_2] : memref<4096x32xf32, #tpu.memory_space<vmem>>, vector<4096x32xf32>
    %get3A_4 = arith.constant 0 : index
    %get3A_5 = arith.constant 0 : index
    %get3A_6 = vector.load %arg2[%get3A_4, %get3A_5] : memref<4096x32xf32, #tpu.memory_space<vmem>>, vector<4096x32xf32>
    %sub3A = arith.subf %get3A_3, %get3A_6 : vector<4096x32xf32>
    %sub3A_7 = arith.subf %get3A_3, %get3A_6 : vector<4096x32xf32>
    %mul3A = arith.mulf %sub3A, %sub3A_7 : vector<4096x32xf32>
    %reduce_sum3A = arith.constant dense<0.000000e+00> : vector<4096xf32>
    %reduce_sum3A_8 = vector.multi_reduction <add>, %mul3A, %reduce_sum3A [1] : vector<4096x32xf32> to vector<4096xf32>
    %broadcast_in_dim3A = vector.shape_cast %reduce_sum3A_8 : vector<4096xf32> to vector<4096x1xf32>
    %mul3A_9 = arith.constant 3.125000e-02 : f32
    %mul3A_10 = vector.broadcast %mul3A_9 : f32 to vector<4096x1xf32>
    %mul3A_11 = arith.mulf %broadcast_in_dim3A, %mul3A_10 : vector<4096x1xf32>
    %abs3A = math.absf %get3A_3 : vector<4096x32xf32>
    %reduce_sum3A_12 = arith.constant dense<0.000000e+00> : vector<4096xf32>
    %reduce_sum3A_13 = vector.multi_reduction <add>, %abs3A, %reduce_sum3A_12 [1] : vector<4096x32xf32> to vector<4096xf32>
    %broadcast_in_dim3A_14 = vector.shape_cast %reduce_sum3A_13 : vector<4096xf32> to vector<4096x1xf32>
    %gt3A = arith.constant 0.000000e+00 : f32
    %gt3A_15 = vector.broadcast %gt3A : f32 to vector<4096x1xf32>
    %gt3A_16 = arith.cmpf ogt, %broadcast_in_dim3A_14, %gt3A_15 : vector<4096x1xf32>
    %convert_element_type3A_17 = arith.extui %gt3A_16 : vector<4096x1xi1> to vector<4096x1xi32>
    %convert_element_type3A_18 = arith.sitofp %convert_element_type3A_17 : vector<4096x1xi32> to vector<4096x1xf32>
    %get3A_19 = arith.constant 0 : index
    %get3A_20 = arith.constant 0 : index
    %get3A_21 = memref.load %arg6[%get3A_19, %get3A_20] : memref<1x1xf32, #tpu.memory_space<smem>>
    %mul3A_22 = arith.mulf %mul3A_11, %convert_element_type3A_18 : vector<4096x1xf32>
    %reduce_sum3A_23 = vector.shape_cast %mul3A_22 : vector<4096x1xf32> to vector<1x4096x1xf32>
    %reduce_sum3A_24 = arith.constant dense<0.000000e+00> : vector<1xf32>
    %reduce_sum3A_25 = vector.multi_reduction <add>, %reduce_sum3A_23, %reduce_sum3A_24 [1, 2] : vector<1x4096x1xf32> to vector<1xf32>
    %reduce_sum3A_26 = vector.shape_cast %reduce_sum3A_25 : vector<1xf32> to vector<1x1x1xf32>
    %reduce_sum3A_27 = vector.extract %reduce_sum3A_26[0, 0, 0] : f32 from vector<1x1x1xf32>
    %add3A = arith.addf %get3A_21, %reduce_sum3A_27 : f32
    %swap3A = arith.constant 0 : index
    %swap3A_28 = arith.constant 0 : index
    %swap3A_29 = memref.load %arg6[%swap3A, %swap3A_28] : memref<1x1xf32, #tpu.memory_space<smem>>
    memref.store %add3A, %arg6[%swap3A, %swap3A_28] : memref<1x1xf32, #tpu.memory_space<smem>>
    %get3A_30 = arith.constant 0 : index
    %get3A_31 = arith.constant 0 : index
    %get3A_32 = memref.load %arg7[%get3A_30, %get3A_31] : memref<1x1xf32, #tpu.memory_space<smem>>
    %reduce_sum3A_33 = vector.shape_cast %convert_element_type3A_18 : vector<4096x1xf32> to vector<1x4096x1xf32>
    %reduce_sum3A_34 = arith.constant dense<0.000000e+00> : vector<1xf32>
    %reduce_sum3A_35 = vector.multi_reduction <add>, %reduce_sum3A_33, %reduce_sum3A_34 [1, 2] : vector<1x4096x1xf32> to vector<1xf32>
    %reduce_sum3A_36 = vector.shape_cast %reduce_sum3A_35 : vector<1xf32> to vector<1x1x1xf32>
    %reduce_sum3A_37 = vector.extract %reduce_sum3A_36[0, 0, 0] : f32 from vector<1x1x1xf32>
    %add3A_38 = arith.addf %get3A_32, %reduce_sum3A_37 : f32
    %swap3A_39 = arith.constant 0 : index
    %swap3A_40 = arith.constant 0 : index
    %swap3A_41 = memref.load %arg7[%swap3A_39, %swap3A_40] : memref<1x1xf32, #tpu.memory_space<smem>>
    memref.store %add3A_38, %arg7[%swap3A_39, %swap3A_40] : memref<1x1xf32, #tpu.memory_space<smem>>
    %eq3A_42 = arith.constant 3 : i32
    %eq3A_43 = arith.cmpi eq, %arg0, %eq3A_42 : i32
    %convert_element_type3A_44 = arith.extui %eq3A_43 : i1 to i32
    %cond3A_45 = arith.constant 0 : i32
    %cond3A_46 = arith.cmpi ne, %convert_element_type3A_44, %cond3A_45 : i32
    scf.if %cond3A_46 {
      %get3A_47 = arith.constant 0 : index
      %get3A_48 = arith.constant 0 : index
      %get3A_49 = memref.load %arg6[%get3A_47, %get3A_48] : memref<1x1xf32, #tpu.memory_space<smem>>
      %mul3A_50 = arith.constant 2.500000e-01 : f32
      %mul3A_51 = arith.mulf %mul3A_50, %get3A_49 : f32
      %get3A_52 = arith.constant 0 : index
      %get3A_53 = arith.constant 0 : index
      %get3A_54 = memref.load %arg7[%get3A_52, %get3A_53] : memref<1x1xf32, #tpu.memory_space<smem>>
      %div3A = arith.divf %mul3A_51, %get3A_54 : f32
      %broadcast_in_dim3A_55 = vector.broadcast %div3A : f32 to vector<1x1xf32>
      %swap3A_56 = arith.constant 0 : index
      %swap3A_57 = arith.constant 0 : index
      %swap3A_58 = vector.load %arg4[%swap3A_56, %swap3A_57] : memref<1x1xf32, #tpu.memory_space<vmem>>, vector<1x1xf32>
      tpu.vector_store %arg4[%swap3A_56, %swap3A_57], %broadcast_in_dim3A_55 {strides = array<i32>} : memref<1x1xf32, #tpu.memory_space<vmem>>, vector<1x1xf32>,
      %get3A_59 = arith.constant 0 : index
      %get3A_60 = arith.constant 0 : index
      %get3A_61 = vector.load %arg3[%get3A_59, %get3A_60] : memref<32x8192xf32, #tpu.memory_space<vmem>>, vector<32x8192xf32>
      %reduce_sum3A_62 = arith.constant dense<0.000000e+00> : vector<8192xf32>
      %reduce_sum3A_63 = vector.multi_reduction <add>, %get3A_61, %reduce_sum3A_62 [0] : vector<32x8192xf32> to vector<8192xf32>
      %broadcast_in_dim3A_64 = vector.shape_cast %reduce_sum3A_63 : vector<8192xf32> to vector<1x8192xf32>
      %mul3A_65 = arith.constant 6.10351563E-5 : f32
      %mul3A_66 = vector.broadcast %mul3A_65 : f32 to vector<1x8192xf32>
      %mul3A_67 = arith.mulf %broadcast_in_dim3A_64, %mul3A_66 : vector<1x8192xf32>
      %add3A_68 = arith.constant 1.000000e-10 : f32
      %add3A_69 = vector.broadcast %add3A_68 : f32 to vector<1x8192xf32>
      %add3A_70 = arith.addf %mul3A_67, %add3A_69 : vector<1x8192xf32>
      %log3A = math.log %add3A_70 : vector<1x8192xf32>
      %mul3A_71 = arith.mulf %mul3A_67, %log3A : vector<1x8192xf32>
      %reduce_sum3A_72 = vector.shape_cast %mul3A_71 : vector<1x8192xf32> to vector<1x1x8192xf32>
      %reduce_sum3A_73 = arith.constant dense<0.000000e+00> : vector<1xf32>
      %reduce_sum3A_74 = vector.multi_reduction <add>, %reduce_sum3A_72, %reduce_sum3A_73 [1, 2] : vector<1x1x8192xf32> to vector<1xf32>
      %reduce_sum3A_75 = vector.shape_cast %reduce_sum3A_74 : vector<1xf32> to vector<1x1x1xf32>
      %reduce_sum3A_76 = vector.extract %reduce_sum3A_75[0, 0, 0] : f32 from vector<1x1x1xf32>
      %neg3A = arith.constant 0.000000e+00 : f32
      %neg3A_77 = arith.subf %neg3A, %reduce_sum3A_76 : f32
      %exp3A = math.exp %neg3A_77 : f32
      %broadcast_in_dim3A_78 = vector.broadcast %exp3A : f32 to vector<1x1xf32>
      %swap3A_79 = arith.constant 0 : index
      %swap3A_80 = arith.constant 0 : index
      %swap3A_81 = vector.load %arg5[%swap3A_79, %swap3A_80] : memref<1x1xf32, #tpu.memory_space<vmem>>, vector<1x1xf32>
      tpu.vector_store %arg5[%swap3A_79, %swap3A_80], %broadcast_in_dim3A_78 {strides = array<i32>} : memref<1x1xf32, #tpu.memory_space<vmem>>, vector<1x1xf32>,
    } else {
    }
    return
  }
  func.func @transform_0(%arg0: i32) -> (i32, i32) {
    %c0_i32 = arith.constant 0 : i32
    %c0_i32_0 = arith.constant 0 : i32
    return %arg0, %c0_i32 : i32, i32
  }
  func.func @transform_1(%arg0: i32) -> (i32, i32) {
    %c0_i32 = arith.constant 0 : i32
    %c0_i32_0 = arith.constant 0 : i32
    return %arg0, %c0_i32 : i32, i32
  }
  func.func @transform_2(%arg0: i32) -> (i32, i32) {
    %c0_i32 = arith.constant 0 : i32
    %c0_i32_0 = arith.constant 0 : i32
    %c0_i32_1 = arith.constant 0 : i32
    return %c0_i32, %c0_i32_0 : i32, i32
  }
  func.func @transform_3(%arg0: i32) -> (i32, i32) {
    %c0_i32 = arith.constant 0 : i32
    %c0_i32_0 = arith.constant 0 : i32
    %c0_i32_1 = arith.constant 0 : i32
    return %c0_i32, %c0_i32_0 : i32, i32
  }
  func.func @transform_4(%arg0: i32) -> (i32, i32) {
    %c0_i32 = arith.constant 0 : i32
    %c0_i32_0 = arith.constant 0 : i32
    %c0_i32_1 = arith.constant 0 : i32
    return %c0_i32, %c0_i32_0 : i32, i32
  }
}

</mosaic_0001>

<sc_bundles>
// kernel: kernel.4.cloned.1.call-start
scs
__scs_entry_jumppad:
0x0: {  	(pc) =	sbr.rel $0x88, $3  }
0x1: {  	(tag) =	ssettag $0x0;
	lr =	simm.s32 $0x1  }
0x2: {  	[smem:$0x3F9F] =	sst lr;
	_ =	strace $0xD0000000  }
0x3: {  	_ = 	snop  }
0x4: {  	_ = 	snop  }
0x5: {  	_ = 	snop  }
0x6: {  	_ = 	snop  }
0x7: {  	_ = 	snop  }
__scs_overlays_trampoline_lowered:
0x8: {  	[smem:$0x3FAE] =	sst s0  }
0x9: {  	[smem:$0x3FAF] =	sst s1  }
0xa: {  	[smem:$0x3FB0] =	sst s2  }
0xb: {  	[smem:$0x3FB1] =	sst s3  }
0xc: {  	[smem:$0x3FB2] =	sst s4  }
0xd: {  	[smem:$0x3FB3] =	sst s5  }
0xe: {  	[smem:$0x3FB4] =	sst s6  }
0xf: {  	[smem:$0x3FB5] =	sst s7  }
0x10: {  	[smem:$0x3FB6] =	sst s8  }
0x11: {  	[smem:$0x3FB7] =	sst s9;
	s0 =	simm.s32 @!p0 $0x0  }
0x12: {  	s1 =	sld [smem:$0x3F9D];
	s0 =	simm.s32 @p0 $0x1  }
0x13: {  	[smem:$0x3FB8] =	sst s0;
	s0 =	simm.s32 @!p1 $0x0  }
0x14: {  	s2 =	sld [smem:$0x3F9C];
	s0 =	simm.s32 @p1 $0x1  }
0x15: {  	[smem:$0x3FB9] =	sst s0;
	s0 =	simm.s32 @!p2 $0x0  }
0x16: {  	s3 =	sld [smem:$0x3FDB];
	s0 =	simm.s32 @p2 $0x1  }
0x17: {  	s4 =	simm.s32 $0x1BF5;
	[smem:$0x3FBB] =	sst s0  }
0x18: {  	s0 =	sld [smem:$0x3F9E];
	_ =	swait.ge [sflag:s4], $0x0  }
0x19: {  	s7 =	sld [smem:$0x3F9F]  }
0x1a: {  	s8 =	sadd.s32 $0xFFFFE003, lr  }
0x1b: {  	s9 =	sadd.s32 $0xFFFFFEF7, lr;
	s5 =	simm.s32 $0xFFFFFFFF;
	p2 =	slt.u32 s8, $0xFFFFF086  }
0x1c: {  	p1 =	slt.u32 s9, $0xF7A;
	s5 =	simm.s32 @!p2 $0x0  }
0x1d: {  	s5 =	simm.s32 @p1 $0x1;
	p0 =	seq.s32 s7, s2  }
0x1e: {  	s7 =	smul.u32 @!p0 $0xF7A, s2;
	p2 =	seq.s32 @!p0 s5, $0x0  }
0x1f: {  	s9 =	smul.u32 $0xF7A, s1;
	s8 =	simm.s32 @!p0 $0x1BF5;
	p2 =	por !p2, p0  }
0x20: {  	[sflag:s8] =	ssyncset.s32 @!p0 $0xFFFFF086;
	s6 =	sadd.s32 @!p0 s3, s7;
	s7 =	simm.s32 @!p0 $0x108  }
0x21: {  	s3 =	sadd.s32 s3, s9;
	s6 =	sadd.s32 @!p0 $0x88, s6;
	s7 =	simm.s32 @p2 $0x1082  }
0x22: {  	[simem:s7], [sflag:s8] =	dma.local @!p0 [hbm:s6], $0xF7A  }
0x23: {  	s9 =	sor.u32 $0xD0000000, s2;
	s6 =	simm.s32 $0x108;
	_ =	swait.ge @!p0 [sflag:s8], $0x0  }
0x24: {  	s3 =	sadd.s32 $0x88, s3;
	s6 =	simm.s32 @!p1 $0x1082;
	[sflag:s4] =	ssyncset.s32 $0xFFFFF086  }
0x25: {  	[simem:s6], [sflag:s4] =	dma.local [hbm:s3], $0xF7A  }
0x26: {  	[smem:$0x3F9F] =	sst s1;
	(tag) =	ssettag s2;
	_ =	strace s9  }
0x27: {  	s1 =	sld [smem:$0x3FAF]  }
0x28: {  	s2 =	sld [smem:$0x3FB0]  }
0x29: {  	s4 =	sld [smem:$0x3FB2]  }
0x2a: {  	p0 =	seq.s32 s5, $0x0;
	s5 =	sld [smem:$0x3FB3]  }
0x2b: {  	s6 =	sld [smem:$0x3FB4]  }
0x2c: {  	s7 =	sld [smem:$0x3FB5]  }
0x2d: {  	s3 =	simm.s32 $0x108;
	s8 =	sld [smem:$0x3FB6]  }
0x2e: {  	s3 =	simm.s32 @!p0 $0x1082;
	s9 =	sld [smem:$0x3FB7]  }
0x2f: {  	lr =	sadd.s32 s0, s3;
	s0 =	sld [smem:$0x3FAE]  }
0x30: {  	s3 =	sld [smem:$0x3FB1]  }
0x31: {  	[smem:$0x3FBA] =	sst s10  }
0x32: {  	s10 =	sld [smem:$0x3FB8];
	_ =	sdelay $0x3  }
0x33: {  	p0 =	seq.s32 s10, $0x1;
	s10 =	sld [smem:$0x3FBA];
	_ =	sdelay $0x3  }
0x34: {  	[smem:$0x3FBA] =	sst s10  }
0x35: {  	s10 =	sld [smem:$0x3FB9];
	_ =	sdelay $0x3  }
0x36: {  	p1 =	seq.s32 s10, $0x1;
	s10 =	sld [smem:$0x3FBA];
	_ =	sdelay $0x3  }
0x37: {  	[smem:$0x3FBA] =	sst s10  }
0x38: {  	s10 =	sld [smem:$0x3FBB]  }
0x39: {  	_ = 	snop;
	(pc) =	sbr.ind lr, $3  }
0x3a: {  	_ = 	snop  }
0x3b: {  	_ = 	snop  }
0x3c: {  	p2 =	seq.s32 s10, $0x1;
	s10 =	sld [smem:$0x3FBA]  }
0x3d: {  	_ =	shalt  }
0x3e: {  	_ =	shalt  }
0x3f: {  	_ =	shalt  }
0x40: {  	_ =	shalt  }
0x41: {  	_ =	shalt  }
0x42: {  	_ =	shalt  }
0x43: {  	_ =	shalt  }
0x44: {  	_ =	shalt  }
0x45: {  	_ =	shalt  }
0x46: {  	_ =	shalt  }
0x47: {  	_ =	shalt  }
0x48: {  	_ =	shalt  }
0x49: {  	_ =	shalt  }
0x4a: {  	_ =	shalt  }
0x4b: {  	_ =	shalt  }
0x4c: {  	_ =	shalt  }
0x4d: {  	_ =	shalt  }
0x4e: {  	_ =	shalt  }
0x4f: {  	_ =	shalt  }
0x50: {  	_ =	shalt  }
0x51: {  	_ =	shalt  }
0x52: {  	_ =	shalt  }
0x53: {  	_ =	shalt  }
0x54: {  	_ =	shalt  }
0x55: {  	_ =	shalt  }
0x56: {  	_ =	shalt  }
0x57: {  	_ =	shalt  }
0x58: {  	_ =	shalt  }
0x59: {  	_ =	shalt  }
0x5a: {  	_ =	shalt  }
0x5b: {  	_ =	shalt  }
0x5c: {  	_ =	shalt  }
0x5d: {  	_ =	shalt  }
0x5e: {  	_ =	shalt  }
0x5f: {  	_ =	shalt  }
0x60: {  	_ =	shalt  }
0x61: {  	_ =	shalt  }
0x62: {  	_ =	shalt  }
0x63: {  	_ =	shalt  }
0x64: {  	_ =	shalt  }
0x65: {  	_ =	shalt  }
0x66: {  	_ =	shalt  }
0x67: {  	_ =	shalt  }
0x68: {  	_ =	shalt  }
0x69: {  	_ =	shalt  }
0x6a: {  	_ =	shalt  }
0x6b: {  	_ =	shalt  }
0x6c: {  	_ =	shalt  }
0x6d: {  	_ =	shalt  }
0x6e: {  	_ =	shalt  }
0x6f: {  	_ =	shalt  }
0x70: {  	_ =	shalt  }
0x71: {  	_ =	shalt  }
0x72: {  	_ =	shalt  }
0x73: {  	_ =	shalt  }
0x74: {  	_ =	shalt  }
0x75: {  	_ =	shalt  }
0x76: {  	_ =	shalt  }
0x77: {  	_ =	shalt  }
0x78: {  	_ =	shalt  }
0x79: {  	_ =	shalt  }
0x7a: {  	_ =	shalt  }
0x7b: {  	_ =	shalt  }
0x7c: {  	_ =	shalt  }
0x7d: {  	_ =	shalt  }
0x7e: {  	_ =	shalt  }
0x7f: {  	_ =	shalt  }
0x80: {  	_ =	shalt  }
0x81: {  	_ =	shalt  }
0x82: {  	_ =	shalt  }
0x83: {  	_ =	shalt  }
0x84: {  	_ =	shalt  }
0x85: {  	_ =	shalt  }
0x86: {  	_ =	shalt  }
0x87: {  	_ =	shalt  }
.Lfunc_end0:
.L_simem_size_0:
called_computation_lowered:
.L_overlay_start_0:
0x88: {  	s2 =	sld [smem:$0x3FD9]  }
0x89: {  	s3 =	sld [smem:$0x3FFE];
	_ =	sdelay $0x1  }
0x8a: {  	s1 =	srdreg.scid  }
0x8b: {  	s0 =	sand.u32 $0x1, s1  }
0x8c: {  	s14 =	sshll.u32 s0, $0xA;
	s2 =	sadd.s32 s3, s2  }
0x8d: {  	s2 =	sadd.s32 s2, s14  }
0x8e: {  	[smem:$0x3FC6] =	sst s2  }
0x8f: {  	_ = 	snop  }
0x90: {  	s2 =	sld [smem:$0x3FD0];
	_ =	sdelay $0x2  }
0x91: {  	s15 =	simm.s32 $0xA;
	s4 =	simm.s32 $0x10  }
0x92: {  	[smem:s4], [sflag:s15] =	dma.local [hbm:s2], $0x1  }
0x93: {  	_ =	swait.eq [sflag:s15], $0x1  }
0x94: {  	[sflag:s15] =	ssyncset.done $0x0  }
0x95: {  	[sflag:s15] =	ssyncadd.s32 $0xFFFFFFFF  }
0x96: {  	s16 =	sld [smem:$0x10];
	(tm) =	ssettm $0x1  }
0x97: {  	s17 =	sld [smem:$0x3FFB];
	_ =	sdelay $0x3  }
0x98: {  	_ =	strace s17  }
0x99: {  	s3 =	sld [smem:$0x3FFC];
	_ =	sdelay $0x3  }
0x9a: {  	_ =	strace s3  }
0x9b: {  	s3 =	sld [smem:$0x3FFD];
	_ =	sdelay $0x3  }
0x9c: {  	_ =	strace s3  }
0x9d: {  	_ =	strace $0x8FFFFFFF  }
0x9e: {  	s18 =	sld [smem:$0x3FDB];
	_ =	sdelay $0x1  }
0x9f: {  	s19 =	simm.s32 $_scs_section_size  }
0xa0: {  	s5 =	simm.s32 $_size__tile_overlayer_lowered;
	s6 =	simm.s32 $_tile_overlayer_lowered  }
0xa1: {  	s22 =	simm.s32 $0x1BFF;
	s21 =	sshll.u32 s6, $0x1;
	s3 =	sadd.s32 s19, s18  }
0xa2: {  	s7 =	simm.s32 $0x0;
	s20 =	sshll.u32 s5, $0x1;
	s5 =	sadd.s32 s21, s3  }
0xa3: {  	[timem:s7], [sflag:s22] =	dma.local [hbm:s5], s20  }
0xa4: {  	_ =	swait.ge [sflag:s22], s20  }
0xa5: {  	s4 =	ssub.s32 $0x0, s20;
	[sflag:s22] =	ssyncset.done $0x0  }
0xa6: {  	[sflag:s22] =	ssyncadd.s32 s4;
	_ =	sdelay $0x1  }
0xa7: {  	s23 =	simm.s32 $0x1B8B  }
0xa8: {  	_ =	swait.ge [sflag:s23], $0x1  }
0xa9: {  	[sflag:s23] =	ssyncset.done $0x0  }
0xaa: {  	s25 =	simm.s32 $0x1B8E;
	s24 =	sld [smem:$0x3FFE];
	[sflag:s23] =	ssyncadd.s32 $0xFFFFFFFF  }
0xab: {  	s26 =	simm.s32 $execute0_lowered;
	[smem:$0x3FD2] =	sst s25  }
0xac: {  	s5 =	sshll.u32 s26, $0x1;
	_ =	strace $0x80000046;
	[dreg:$0x1] =	wrdreg $0xFFFFFFFF  }
0xad: {  	s28 =	simm.s32 $_size_execute0_lowered;
	s3 =	sadd.s32 s3, s5;
	[dreg:$0x0] =	wrdreg $0x0  }
0xae: {  	s5 =	sshll.u32 s28, $0x1;
	[dreg:$0x2] =	wrdreg s3  }
0xaf: {  	[dreg:$0x3] =	wrdreg s5  }
0xb0: {  	[dreg:$0x4] =	wrdreg $0xC0  }
0xb1: {  	_ =	task [dreg:s7], $0x5FFFF  }
0xb2: {  	[dreg:$0x1] =	wrdreg $0xFFFFFFFF  }
0xb3: {  	[dreg:$0x0] =	wrdreg $0x60  }
0xb4: {  	[dreg:$0x2] =	wrdreg s24  }
0xb5: {  	[dreg:$0x3] =	wrdreg s16  }
0xb6: {  	[dreg:$0x4] =	wrdreg $0x9  }
0xb7: {  	_ =	task.clear_ibuf [dreg:s7], $0x5FFFF;
	_ =	strace $0x90000046  }
0xb8: {  	s29 =	simm.s32 $0x9;
	_ =	strace $0x80000048  }
0xb9: {  	_ =	swait.ge [sflag:s29], $0x1  }
0xba: {  	[sflag:s29] =	ssyncadd.s32 $0xFFFFFFFF  }
0xbb: {  	_ =	strace $0x90000048  }
0xbc: {  	_ =	sfence  }
0xbd: {  	s30 =	sld [smem:$0x0];
	_ =	sdelay $0x2  }
0xbe: {  	s31 =	sshll.u32 s1, $0xD;
	s1 =	sshrl.u32 s1, $0x2  }
0xbf: {  	s3 =	sand.u32 $0x4000, s31;
	s1 =	sadd.s32 s1, s30  }
0xc0: {  	s0 =	sor.u32 s3, s0;
	s1 =	sshll.u32 s1, $0x11  }
0xc1: {  	s0 =	sor.u32 s1, s0  }
0xc2: {  	s0 =	sadd.s32 $0x8F2B, s0  }
0xc3: {  	[sflag:s0] =	ssyncadd.remote.s32 $0x1  }
0xc4: {  	_ =	sfence.sel $0xFFFF  }
0xc5: {  	[dreg:$0x0] =	wrdreg $0xFFFFFFFF;
	(pc) =	sbr.abs _section_cstart, $3  }
0xc6: {  	[dreg:$0x1] =	wrdreg $0xFFFFFFFF  }
0xc7: {  	_ =	task.clear_ibuf [dreg:s7], $0x2FFFF;
	_ =	strace $0x9FFFFFFF  }
0xc8: {  	(tm) =	ssettm $0x7FFFFFFF  }
0xc9: {  	_ =	shalt  }
tec
execute0_lowered:
.L_overlay_start_1:
0x0: {  	(tag) =	ssettag $0x1  }
0x1: {  	s2 =	rddreg [dreg:$0x0]  }
0x2: {  	s6 =	rddreg [dreg:$0x1]  }
0x3: {  	s0 =	rddreg [dreg:$0x2];
	s4 =	srdreg.scid  }
0x4: {  	s1 =	stileid.u32;
	s3 =	simm.s32 $0x0;
	s11 =	simm.s32 $0x1200  }
0x5: {  	s12 =	simm.s32 $0x100;
	s13 =	simm.s32 $0x2200;
	s14 =	simm.s32 $0x180  }
0x6: {  	s15 =	simm.s32 $0x3200;
	s16 =	simm.s32 $0x4200;
	s17 =	simm.s32 $0x1  }
0x7: {  	s4 =	sand.u32 $0x1, s4;
	s5 =	sshll.u32 s1, $0x1;
	[smem:$0x7FF] =	sst s3  }
0x8: {  	s18 =	simm.s32 $0x0;
	s5 =	sor.u32 s4, s5;
	_ =	strace $0x80000047  }
0x9: {  	s4 =	ssub.s32 $0x2, s4;
	s7 =	sshll.u32 s5, $0x6;
	s8 =	sshll.u32 s5, $0xA  }
0xa: {  	s9 =	sshrl.u32 s4, $0x1;
	s10 =	sshll.u32 s5, $0xB;
	s7 =	sadd.s32 s7, s2  }
0xb: {  	s8 =	sadd.s32 s8, s2;
	s9 =	ssub.s32 s4, s9;
	s6 =	sadd.s32 s6, s10  }
0xc: {  	s10 =	simm.s32 $0x200;
	s4 =	sadd.s32 $0x8000, s7;
	s5 =	sadd.s32 $0x8800, s8  }
0xd: {  	v0 =	vimm.f32 $0.0e+00;
	v1 =	vimm.f32 $1.000000000e+00;
	s7 =	smax.u32 s9, $0x1;
	s8 =	simm.s32 $0x2;
	s9 =	simm.s32 $0x80  }
.LBB2_1:
0xe: {  	[tilespmem:s3], [sflag:$0x2] =	stream.linear.gather [hbm4b:s4+s3], $0x200, $0x38;
	[tilespmem:$0x6200] =	vst v63  }
0xf: {  	_ =	swait.ge [sflag:s8], $0x200  }
0x10: {  	[sflag:s8] =	ssyncset.done $0x0  }
0x11: {  	[sflag:s8] =	ssyncadd.s32 $0xFFFFFE00  }
0x12: {  	[tilespmem:s10], [sflag:$0x1] =	stream.indirect.gather [hbm4b:s2+s9], $0x20, s3, s9, $0xb8;
	[tilespmem:$0x6200] =	vst v63  }
0x13: {  	_ = 	snop  }
0x14: {  	[tilespmem:s11], [sflag:$0x1] =	stream.indirect.gather [hbm4b:s2+s9], $0x20, s9, s9, $0xb8;
	[tilespmem:$0x6200] =	vst v63  }
0x15: {  	_ = 	snop  }
0x16: {  	[tilespmem:s13], [sflag:$0x1] =	stream.indirect.gather [hbm4b:s2+s9], $0x20, s12, s9, $0xb8;
	[tilespmem:$0x6200] =	vst v63  }
0x17: {  	s19 =	simm.s32 $0x4240  }
0x18: {  	[tilespmem:s15], [sflag:$0x1] =	stream.indirect.gather [hbm4b:s2+s9], $0x20, s14, s9, $0xb8;
	[tilespmem:$0x6200] =	vst v63  }
0x19: {  	[tilespmem:s19+$0xFFFFFFC0] =	vst v0  }
0x1a: {  	[tilespmem:s19+$0x30] =	vst v0  }
0x1b: {  	[tilespmem:s19+$0x20] =	vst v0  }
0x1c: {  	[tilespmem:s19+$0x10] =	vst v0  }
0x1d: {  	[tilespmem:s19+$0x0] =	vst v0  }
0x1e: {  	[tilespmem:s19+$0xFFFFFFF0] =	vst v0  }
0x1f: {  	s20 =	simm.s32 $0x0;
	[tilespmem:s19+$0xFFFFFFE0] =	vst v0  }
.LBB2_2:
0x20: {  	s20 =	sadd.s32 $0x8, s20;
	[tilespmem:s19+$0xFFFFFFD0] =	vst v0;
	s19 =	sadd.s32 $0x80, s19  }
0x21: {  	[tilespmem:s19+$0xFFFFFFC0] =	vst v0;
	p0 =	slt.u32 s20, $0x1F8  }
0x22: {  	[tilespmem:s19+$0x30] =	vst v0  }
.Ltmp0:
0x23: {  	[tilespmem:s19+$0x20] =	vst v0;
	(pc) =	sbr.rel @p0 .LBB2_2-.Ltmp0, $4  }
0x24: {  	[tilespmem:s19+$0x10] =	vst v0  }
0x25: {  	[tilespmem:s19+$0x0] =	vst v0  }
0x26: {  	[tilespmem:s19+$0xFFFFFFF0] =	vst v0  }
0x27: {  	[tilespmem:s19+$0xFFFFFFE0] =	vst v0  }
0x28: {  	[tilespmem:s19+$0xFFFFFFD0] =	vst v0  }
0x29: {  	v2 =	vld [tilespmem:$0x0];
	_ =	sdelay $0x7  }
0x2a: {  	[tilespmem:v2+s16+$0x0] =	vst.idx.add.f32.msk $0xffff, v1  }
0x2b: {  	v2 =	vld [tilespmem:$0x10];
	_ =	sdelay $0x7  }
0x2c: {  	[tilespmem:v2+s16+$0x0] =	vst.idx.add.f32.msk $0xffff, v1  }
0x2d: {  	v2 =	vld [tilespmem:$0x20];
	_ =	sdelay $0x7  }
0x2e: {  	[tilespmem:v2+s16+$0x0] =	vst.idx.add.f32.msk $0xffff, v1  }
0x2f: {  	v2 =	vld [tilespmem:$0x30];
	_ =	sdelay $0x7  }
0x30: {  	[tilespmem:v2+s16+$0x0] =	vst.idx.add.f32.msk $0xffff, v1  }
0x31: {  	v2 =	vld [tilespmem:$0x40];
	_ =	sdelay $0x7  }
0x32: {  	[tilespmem:v2+s16+$0x0] =	vst.idx.add.f32.msk $0xffff, v1  }
0x33: {  	v2 =	vld [tilespmem:$0x50];
	_ =	sdelay $0x7  }
0x34: {  	[tilespmem:v2+s16+$0x0] =	vst.idx.add.f32.msk $0xffff, v1  }
0x35: {  	v2 =	vld [tilespmem:$0x60];
	_ =	sdelay $0x7  }
0x36: {  	[tilespmem:v2+s16+$0x0] =	vst.idx.add.f32.msk $0xffff, v1  }
0x37: {  	v2 =	vld [tilespmem:$0x70];
	_ =	sdelay $0x7  }
0x38: {  	[tilespmem:v2+s16+$0x0] =	vst.idx.add.f32.msk $0xffff, v1  }
0x39: {  	v2 =	vld [tilespmem:$0x80];
	_ =	sdelay $0x7  }
0x3a: {  	[tilespmem:v2+s16+$0x0] =	vst.idx.add.f32.msk $0xffff, v1  }
0x3b: {  	v2 =	vld [tilespmem:$0x90];
	_ =	sdelay $0x7  }
0x3c: {  	[tilespmem:v2+s16+$0x0] =	vst.idx.add.f32.msk $0xffff, v1  }
0x3d: {  	v2 =	vld [tilespmem:$0xA0];
	_ =	sdelay $0x7  }
0x3e: {  	[tilespmem:v2+s16+$0x0] =	vst.idx.add.f32.msk $0xffff, v1  }
0x3f: {  	v2 =	vld [tilespmem:$0xB0];
	_ =	sdelay $0x7  }
0x40: {  	[tilespmem:v2+s16+$0x0] =	vst.idx.add.f32.msk $0xffff, v1  }
0x41: {  	v2 =	vld [tilespmem:$0xC0];
	_ =	sdelay $0x7  }
0x42: {  	[tilespmem:v2+s16+$0x0] =	vst.idx.add.f32.msk $0xffff, v1  }
0x43: {  	v2 =	vld [tilespmem:$0xD0];
	_ =	sdelay $0x7  }
0x44: {  	[tilespmem:v2+s16+$0x0] =	vst.idx.add.f32.msk $0xffff, v1  }
0x45: {  	v2 =	vld [tilespmem:$0xE0];
	_ =	sdelay $0x7  }
0x46: {  	[tilespmem:v2+s16+$0x0] =	vst.idx.add.f32.msk $0xffff, v1  }
0x47: {  	v2 =	vld [tilespmem:$0xF0];
	_ =	sdelay $0x7  }
0x48: {  	[tilespmem:v2+s16+$0x0] =	vst.idx.add.f32.msk $0xffff, v1  }
0x49: {  	v2 =	vld [tilespmem:$0x100];
	_ =	sdelay $0x7  }
0x4a: {  	[tilespmem:v2+s16+$0x0] =	vst.idx.add.f32.msk $0xffff, v1  }
0x4b: {  	v2 =	vld [tilespmem:$0x110];
	_ =	sdelay $0x7  }
0x4c: {  	[tilespmem:v2+s16+$0x0] =	vst.idx.add.f32.msk $0xffff, v1  }
0x4d: {  	v2 =	vld [tilespmem:$0x120];
	_ =	sdelay $0x7  }
0x4e: {  	[tilespmem:v2+s16+$0x0] =	vst.idx.add.f32.msk $0xffff, v1  }
0x4f: {  	v2 =	vld [tilespmem:$0x130];
	_ =	sdelay $0x7  }
0x50: {  	[tilespmem:v2+s16+$0x0] =	vst.idx.add.f32.msk $0xffff, v1  }
0x51: {  	v2 =	vld [tilespmem:$0x140];
	_ =	sdelay $0x7  }
0x52: {  	[tilespmem:v2+s16+$0x0] =	vst.idx.add.f32.msk $0xffff, v1  }
0x53: {  	v2 =	vld [tilespmem:$0x150];
	_ =	sdelay $0x7  }
0x54: {  	[tilespmem:v2+s16+$0x0] =	vst.idx.add.f32.msk $0xffff, v1  }
0x55: {  	v2 =	vld [tilespmem:$0x160];
	_ =	sdelay $0x7  }
0x56: {  	[tilespmem:v2+s16+$0x0] =	vst.idx.add.f32.msk $0xffff, v1  }
0x57: {  	v2 =	vld [tilespmem:$0x170];
	_ =	sdelay $0x7  }
0x58: {  	[tilespmem:v2+s16+$0x0] =	vst.idx.add.f32.msk $0xffff, v1  }
0x59: {  	v2 =	vld [tilespmem:$0x180];
	_ =	sdelay $0x7  }
0x5a: {  	[tilespmem:v2+s16+$0x0] =	vst.idx.add.f32.msk $0xffff, v1  }
0x5b: {  	v2 =	vld [tilespmem:$0x190];
	_ =	sdelay $0x7  }
0x5c: {  	[tilespmem:v2+s16+$0x0] =	vst.idx.add.f32.msk $0xffff, v1  }
0x5d: {  	v2 =	vld [tilespmem:$0x1A0];
	_ =	sdelay $0x7  }
0x5e: {  	[tilespmem:v2+s16+$0x0] =	vst.idx.add.f32.msk $0xffff, v1  }
0x5f: {  	v2 =	vld [tilespmem:$0x1B0];
	_ =	sdelay $0x7  }
0x60: {  	[tilespmem:v2+s16+$0x0] =	vst.idx.add.f32.msk $0xffff, v1  }
0x61: {  	v2 =	vld [tilespmem:$0x1C0];
	_ =	sdelay $0x7  }
0x62: {  	[tilespmem:v2+s16+$0x0] =	vst.idx.add.f32.msk $0xffff, v1  }
0x63: {  	v2 =	vld [tilespmem:$0x1D0];
	_ =	sdelay $0x7  }
0x64: {  	[tilespmem:v2+s16+$0x0] =	vst.idx.add.f32.msk $0xffff, v1  }
0x65: {  	v2 =	vld [tilespmem:$0x1E0];
	_ =	sdelay $0x7  }
0x66: {  	[tilespmem:v2+s16+$0x0] =	vst.idx.add.f32.msk $0xffff, v1  }
0x67: {  	v2 =	vld [tilespmem:$0x1F0];
	_ =	sdelay $0x7  }
0x68: {  	[tilespmem:v2+s16+$0x0] =	vst.idx.add.f32.msk $0xffff, v1  }
0x69: {  	[hbm4b:s5+s3] =	stream.linear.scatter [tilespmem:s16], [sflag:$0x2], $0x2000, $0x38;
	[tilespmem:$0x6200] =	vst v63  }
0x6a: {  	_ =	swait.ge [sflag:s8], $0x2000  }
0x6b: {  	[sflag:s8] =	ssyncset.done $0x0  }
0x6c: {  	[sflag:s8] =	ssyncadd.s32 $0xFFFFE000  }
0x6d: {  	_ =	swait.ge [sflag:s17], $0x1000  }
0x6e: {  	[sflag:s17] =	ssyncset.done $0x0  }
0x6f: {  	[sflag:s17] =	ssyncadd.s32 $0xFFFFF000  }
0x70: {  	_ =	swait.ge [sflag:s17], $0x1000  }
0x71: {  	[sflag:s17] =	ssyncset.done $0x0  }
0x72: {  	[sflag:s17] =	ssyncadd.s32 $0xFFFFF000  }
0x73: {  	_ =	swait.ge [sflag:s17], $0x1000  }
0x74: {  	[sflag:s17] =	ssyncset.done $0x0  }
0x75: {  	[sflag:s17] =	ssyncadd.s32 $0xFFFFF000  }
0x76: {  	s18 =	sadd.s32 $0x1, s18;
	_ =	swait.ge [sflag:s17], $0x1000  }
0x77: {  	p0 =	sne.s32 s18, s7;
	[sflag:s17] =	ssyncset.done $0x0  }
.Ltmp1:
0x78: {  	[sflag:s17] =	ssyncadd.s32 $0xFFFFF000;
	(pc) =	sbr.rel @p0 .LBB2_1-.Ltmp1, $4  }
0x79: {  	[hbm4b:s6+s3] =	stream.linear.scatter [tilespmem:s10], [sflag:$0x2], $0x4000, $0x38;
	[tilespmem:$0x6200] =	vst v63  }
0x7a: {  	_ =	swait.ge [sflag:s8], $0x4000  }
0x7b: {  	[sflag:s8] =	ssyncset.done $0x0  }
0x7c: {  	[sflag:s8] =	ssyncadd.s32 $0xFFFFC000  }
0x7d: {  	_ =	sfence.sel $0x180000  }
0x7e: {  	[bflag:$0x0] =	sbarrier.arrive $0xFFFF  }
0x7f: {  	p0 =	sne.s32 s1, $0x0;
	_ =	strace $0x90000047  }
0x80: {  	s0 =	sadd.s32 @!p0 $0x100000, s0;
	[bflag:$0x2] =	sbarrier.arrive $0xFFFF  }
0x81: {  	[sflag:s0] =	ssyncadd.tile.s32 @!p0 $0x1;
	_ =	shalt  }
.Lfunc_end2:
_tile_overlayer_lowered:
.L_overlay_start_2:
0x82: {  	(tag) =	ssettag $0x2  }
0x83: {  	s0 =	rddreg [dreg:$0x0];
	s2 =	stileid.u32  }
0x84: {  	s1 =	rddreg [dreg:$0x1];
	p0 =	sne.s32 s2, $0x0  }
0x85: {  	s3 =	rddreg [dreg:$0x2];
	[bflag:$0x3] =	sbarrier.arrive $0xFFFF;
	s2 =	simm.s32 @!p0 $0x1C02  }
0x86: {  	[timem:s3], [sflag:s2] =	dma.local @!p0 [hbm:s0], s1  }
0x87: {  	s0 =	simm.s32 @!p0 $0x2  }
0x88: {  	_ =	swait.ge @!p0 [sflag:s0], s1  }
0x89: {  	s1 =	ssub.s32 @!p0 $0x0, s1;
	[sflag:s0] =	ssyncset.done @!p0 $0x0  }
0x8a: {  	[sflag:s0] =	ssyncadd.s32 @!p0 s1  }
0x8b: {  	[bflag:$0x3] =	sbarrier.arrive $0xFFFF  }
0x8c: {  	_ =	shalt  }

</sc_bundles>
